<compile_context>
chip_gen: v7x
topology: tpu7x:2x2x1
jax: 0.10.2.dev20260603
libtpu: 0.0.44.dev20260713+nightly
codegen_flags: <defaults>
</compile_context>

<pallas_src>
import functools

import jax
import jax.numpy as jnp
from jax import lax
from jax.experimental import pallas as pl
from jax.experimental.pallas import tpu as pltpu
from jax.experimental.pallas import tpu_sc as plsc

N_NODES = 10000
N_EDGES = 160000
NODE_IN = 128
EDGE_IN = 16
HIDDEN = 16

GRP = 128
N_GROUPS = N_EDGES // GRP
NW = 32
GROUPS_PER_W = -(-N_GROUPS // NW)
N_PAD = 10240
ROWS_PER_TILE = N_PAD // 16
RCH = ROWS_PER_TILE // GRP

EDGE_BLK = 2000
MW = 128


_sc_mesh = plsc.VectorSubcoreMesh(core_axis_name="c", subcore_axis_name="s")


@functools.partial(
    pl.kernel,
    mesh=_sc_mesh,
    out_type=jax.ShapeDtypeStruct((N_EDGES, NODE_IN), jnp.float32),
    scratch_types=[
        pltpu.VMEM((GRP,), jnp.int32),
        pltpu.VMEM((GRP, NODE_IN), jnp.float32),
        pltpu.SemaphoreType.DMA,
    ],
)
def _sc_gather(table_hbm, idx_hbm, out_hbm, idx_v, rows_v, sem):
    wid = lax.axis_index("s") * 2 + lax.axis_index("c")

    def body(g, carry):
        gid = g * NW + wid

        @pl.when(gid < N_GROUPS)
        def _():
            base = gid * GRP
            pltpu.sync_copy(idx_hbm.at[pl.ds(base, GRP)], idx_v)
            pltpu.async_copy(table_hbm.at[idx_v], rows_v, sem).wait()
            pltpu.sync_copy(rows_v, out_hbm.at[pl.ds(base, GRP)])

        return carry

    lax.fori_loop(0, GROUPS_PER_W, body, 0)


@functools.partial(
    pl.kernel,
    mesh=_sc_mesh,
    out_type=jax.ShapeDtypeStruct((2, N_PAD, MW), jnp.float32),
    scratch_types=[
        pltpu.VMEM((GRP, MW), jnp.float32),
        pltpu.VMEM((RCH, GRP), jnp.int32),
        pltpu.VMEM((1, GRP), jnp.int32),
        pltpu.VMEM((GRP, MW), jnp.float32),
        pltpu.VMEM_SHARED((N_PAD, MW), jnp.float32),
        pltpu.SemaphoreType.DMA,
    ],
)
def _sc_scatter(m_hbm, dst_hbm, rowidx_hbm, zeros_hbm, out_hbm,
                stage_v, ridx_v, idx_v, rows_v, acc_sh, sem):
    cid = lax.axis_index("c")
    sid = lax.axis_index("s")
    wid = sid * 2 + cid
    row0 = sid * ROWS_PER_TILE

    pltpu.sync_copy(rowidx_hbm.at[sid], ridx_v)
    pltpu.sync_copy(zeros_hbm, stage_v)
    for j in range(RCH):
        pltpu.sync_copy(stage_v, acc_sh.at[ridx_v.at[j]])
    plsc.subcore_barrier()

    def body(g, carry):
        gid = g * NW + wid

        @pl.when(gid < N_GROUPS)
        def _():
            pltpu.sync_copy(dst_hbm.at[pl.ds(gid, 1)], idx_v)
            pltpu.sync_copy(m_hbm.at[pl.ds(gid * GRP, GRP)], rows_v)
            pltpu.sync_copy(rows_v, acc_sh.at[idx_v.at[0]], add=True)

        return carry

    lax.fori_loop(0, GROUPS_PER_W, body, 0)
    plsc.subcore_barrier()

    for j in range(RCH):
        pltpu.async_copy(acc_sh.at[ridx_v.at[j]], stage_v, sem).wait()
        pltpu.sync_copy(stage_v, out_hbm.at[cid, pl.ds(row0 + j * GRP, GRP)])


def _edge_body(s_ref, h_ref, wet_ref, be_ref, out_ref):
    s = s_ref[...]
    h = h_ref[...]
    a = jnp.dot(s, wet_ref[...], preferred_element_type=jnp.float32)
    e = jnp.maximum(a + be_ref[...], 0.0)
    cols = []
    for k in range(HIDDEN):
        seg = e[:, k * NODE_IN:(k + 1) * NODE_IN] * h
        cols.append(jnp.sum(seg, axis=1, keepdims=True))
    ones = jnp.ones((EDGE_BLK, 1), jnp.float32)
    pad = jnp.zeros((EDGE_BLK, MW - HIDDEN - 1), jnp.float32)
    out_ref[...] = jnp.concatenate(cols + [ones, pad], axis=1)


def _edge_messages(s, h_src, wet, be2):
    grid = N_EDGES // EDGE_BLK
    return pl.pallas_call(
        _edge_body,
        grid=(grid,),
        in_specs=[
            pl.BlockSpec((EDGE_BLK, EDGE_IN), lambda i: (i, 0)),
            pl.BlockSpec((EDGE_BLK, NODE_IN), lambda i: (i, 0)),
            pl.BlockSpec((EDGE_IN, HIDDEN * NODE_IN), lambda i: (0, 0)),
            pl.BlockSpec((1, HIDDEN * NODE_IN), lambda i: (0, 0)),
        ],
        out_specs=pl.BlockSpec((EDGE_BLK, MW), lambda i: (i, 0)),
        out_shape=jax.ShapeDtypeStruct((N_EDGES, MW), jnp.float32),
    )(s, h_src, wet, be2)


def _final_body(nf_ref, p_ref, wn1_ref, wn2_ref, bn_ref, out_ref):
    nf = nf_ref[...]
    p = p_ref[...]
    ps = p[0, :N_NODES, :HIDDEN + 1] + p[1, :N_NODES, :HIDDEN + 1]
    msum = ps[:, :HIDDEN]
    cnt = ps[:, HIDDEN:HIDDEN + 1]
    h_neigh = msum / jnp.maximum(cnt, 1.0)
    a = jnp.dot(nf, wn1_ref[...], preferred_element_type=jnp.float32)
    b = jnp.dot(h_neigh, wn2_ref[...], preferred_element_type=jnp.float32)
    out_ref[...] = jnp.maximum(a + b + bn_ref[...], 0.0)


def _finish(nf, partials, wn1, wn2, bn2):
    return pl.pallas_call(
        _final_body,
        out_shape=jax.ShapeDtypeStruct((N_NODES, HIDDEN), jnp.float32),
    )(nf, partials, wn1, wn2, bn2)


@jax.jit
def kernel(node_features, edge_index, static_edge_features, We, be, Wn, bn):
    src = edge_index[0].astype(jnp.int32)
    dst = edge_index[1].astype(jnp.int32)
    wet = We.T
    be2 = be.reshape(1, HIDDEN * NODE_IN)
    wn1 = Wn[:, :NODE_IN].T
    wn2 = Wn[:, NODE_IN:].T
    bn2 = bn.reshape(1, HIDDEN)
    zeros = jnp.zeros((GRP, MW), jnp.float32)
    rowidx = (jnp.arange(16, dtype=jnp.int32)[:, None] * ROWS_PER_TILE
              + jnp.arange(ROWS_PER_TILE, dtype=jnp.int32)
              ).reshape(16, RCH, GRP)
    dst2 = dst.reshape(N_GROUPS, GRP)

    h_src = _sc_gather(node_features, src)
    m_ext = _edge_messages(static_edge_features, h_src, wet, be2)
    partials = _sc_scatter(m_ext, dst2, rowidx, zeros)
    return _finish(node_features, partials, wn1, wn2, bn2)

# --- scband reference (transcript-rebuilt; emitter-appended) ---
"""Pipeline reference for scband-ecconv-layer-38620345926111 (READ-ONLY COPY).

The authoritative reference and input builder live on the scoring server;
editing this copy changes nothing except your own understanding.
"""

import jax, jax.numpy as jnp
import numpy as np

N_NODES = 10000
N_EDGES = 160000
NODE_IN = 128
EDGE_IN = 16
HIDDEN = 16


def setup_inputs(seed: int = 0) -> dict:
    key = jax.random.key(seed)
    k1, k2, k3, k4, k5, k6, k7 = jax.random.split(key, 7)
    node_features = jax.random.normal(k1, (N_NODES, NODE_IN), dtype=jnp.float32)
    edge_index = jax.random.randint(k2, (2, N_EDGES), 0, N_NODES, dtype=jnp.int64)
    static_edge_features = jax.random.normal(k3, (N_EDGES, EDGE_IN), dtype=jnp.float32)
    # edge_layer: Linear(EDGE_IN, HIDDEN * NODE_IN)
    lim_e = 1.0 / np.sqrt(EDGE_IN)
    We = jax.random.uniform(k4, (HIDDEN * NODE_IN, EDGE_IN), minval=-lim_e, maxval=lim_e, dtype=jnp.float32)
    be = jax.random.uniform(k5, (HIDDEN * NODE_IN,), minval=-lim_e, maxval=lim_e, dtype=jnp.float32)
    # node_layer: Linear(NODE_IN + HIDDEN, HIDDEN)
    lim_n = 1.0 / np.sqrt(NODE_IN + HIDDEN)
    Wn = jax.random.uniform(k6, (HIDDEN, NODE_IN + HIDDEN), minval=-lim_n, maxval=lim_n, dtype=jnp.float32)
    bn = jax.random.uniform(k7, (HIDDEN,), minval=-lim_n, maxval=lim_n, dtype=jnp.float32)
    return {
        "node_features": node_features,
        "edge_index": edge_index,
        "static_edge_features": static_edge_features,
        "We": We, "be": be, "Wn": Wn, "bn": bn,
    }


def reference(node_features, edge_index, static_edge_features, We, be, Wn, bn):
    # Dropout with p=0.0 is identity (eval-mode semantics).
    src = edge_index[0]
    dst = edge_index[1]
    # message_func: per-edge weight matrix from edge features
    e = jax.nn.relu(static_edge_features @ We.T + be)          # [E, HIDDEN*NODE_IN]
    e = e.reshape(e.shape[0], HIDDEN, NODE_IN)                 # [E, HIDDEN, NODE_IN]
    h_src = jnp.take(node_features, src, axis=0)               # gather [E, NODE_IN]
    m = jnp.einsum('ehd,ed->eh', e, h_src)                     # bmm(e, h.unsqueeze(-1)).squeeze(-1)
    # reduce_func: mean over mailbox per dst node
    msum = jax.ops.segment_sum(m, dst, num_segments=N_NODES)   # [N, HIDDEN]
    cnt = jax.ops.segment_sum(jnp.ones((m.shape[0],), dtype=jnp.float32), dst, num_segments=N_NODES)
    h_neigh = msum / jnp.maximum(cnt, 1.0)[:, None]
    # block with N_dst == N_src: h_self = node_features
    h = jnp.concatenate([node_features, h_neigh], axis=1)      # [N, NODE_IN+HIDDEN]
    return jax.nn.relu(h @ Wn.T + bn)                          # [N, HIDDEN]

if __name__ == "__main__":
    import jax
    _d = setup_inputs()
    print(jax.jit(kernel)(*tuple(_d.values())))

</pallas_src>

<mosaic_0001>
#map = affine_map<(d0, d1) -> (0, 0)>
#map1 = affine_map<(d0, d1) -> (0)>
module attributes {stable_mosaic.version = 14 : i64} {
  func.func @_sc_gather(%arg0: i32, %arg1: i32, %arg2: memref<10000x128xf32, #tpu.memory_space<hbm>>, %arg3: memref<160000xi32, #tpu.memory_space<hbm>>, %arg4: memref<160000x128xf32, #tpu.memory_space<hbm>>, %arg5: memref<128xi32, #tpu.memory_space<vmem>>, %arg6: memref<128x128xf32, #tpu.memory_space<vmem>>, %arg7: memref<!tpu.dma_semaphore, #tpu.memory_space<semaphore_mem>>) attributes {dimension_semantics = [#tpu.dimension_semantics<core_parallel>, #tpu.dimension_semantics<subcore_parallel>], iteration_bounds = array<i64: 2, 16>, scalar_prefetch = 0 : i64, scratch_operands = 3 : i64, tpu.core_type = #tpu.core_type<sc_vector_subcore>, window_params = [{transform_indices = #map}, {transform_indices = #map1}, {transform_indices = #map}]} {
    %mul3A = arith.constant 2 : i32
    %mul3A_0 = arith.muli %arg1, %mul3A : i32
    %add3A = arith.addi %mul3A_0, %arg0 : i32
    %scan3A = arith.constant 0 : i32
    %scan3A_1 = arith.constant 0 : i32
    %scan3A_2 = arith.constant 40 : i32
    %scan3A_3 = arith.addi %scan3A_1, %scan3A_2 : i32
    %scan3A_4 = arith.constant 1 : i32
    scf.for %scan3A_6 = %scan3A_1 to %scan3A_3 step %scan3A_4  : i32 {
      %mul3A_7 = arith.constant 32 : i32
      %mul3A_8 = arith.muli %scan3A_6, %mul3A_7 : i32
      %add3A_9 = arith.addi %mul3A_8, %add3A : i32
      %lt3A = arith.constant 1250 : i32
      %lt3A_10 = arith.cmpi slt, %add3A_9, %lt3A : i32
      %convert_element_type3A = arith.extui %lt3A_10 : i1 to i32
      %cond3A = arith.constant 0 : i32
      %cond3A_11 = arith.cmpi ne, %convert_element_type3A, %cond3A : i32
      scf.if %cond3A_11 {
        %mul3A_12 = arith.constant 128 : i32
        %mul3A_13 = arith.muli %add3A_9, %mul3A_12 : i32
        "tpu.region"() ({
          %run_scoped3A = tpu.sem_alloc : memref<!tpu.dma_semaphore, #tpu.memory_space<semaphore_mem>>
          %dma_start3A_18 = tpu.memref_slice %arg3[%mul3A_13] : memref<160000xi32, #tpu.memory_space<hbm>> -> memref<128xi32, #tpu.memory_space<hbm>>
          %dma_start3A_19 = tpu.memref_slice %arg3[%mul3A_13] : memref<160000xi32, #tpu.memory_space<hbm>> -> memref<128xi32, #tpu.memory_space<hbm>>
          tpu.enqueue_dma source(%dma_start3A_19 : memref<128xi32, #tpu.memory_space<hbm>>) target(%arg5 : memref<128xi32, #tpu.memory_space<vmem>>) target_semaphore(%run_scoped3A : memref<!tpu.dma_semaphore, #tpu.memory_space<semaphore_mem>>)
          %dma_wait3A_20 = tpu.memref_slice %arg3[%mul3A_13] : memref<160000xi32, #tpu.memory_space<hbm>> -> memref<128xi32, #tpu.memory_space<hbm>>
          %dma_wait3A_21 = tpu.memref_slice %arg3[%mul3A_13] : memref<160000xi32, #tpu.memory_space<hbm>> -> memref<128xi32, #tpu.memory_space<hbm>>
          tpu.wait_dma2 semaphore(%run_scoped3A : memref<!tpu.dma_semaphore, #tpu.memory_space<semaphore_mem>>) src(%dma_wait3A_21 : memref<128xi32, #tpu.memory_space<hbm>>) dst(%arg5 : memref<128xi32, #tpu.memory_space<vmem>>)
          tpu.yield
        }) : () -> ()
        %dma_start3A = arith.constant 0 : i32
        %dma_start3A_14 = arith.constant 0 : i32
        %dma_start3A_15 = tpu.memref_slice %arg2[%dma_start3A, %dma_start3A_14] : memref<10000x128xf32, #tpu.memory_space<hbm>> -> memref<10000x128xf32, #tpu.memory_space<hbm>>
        tpu.enqueue_indirect_dma source(%dma_start3A_15 : memref<10000x128xf32, #tpu.memory_space<hbm>>) target(%arg6 : memref<128x128xf32, #tpu.memory_space<vmem>>) offsets(%arg5 : memref<128xi32, #tpu.memory_space<vmem>>) semaphore(%arg7 : memref<!tpu.dma_semaphore, #tpu.memory_space<semaphore_mem>>)
        %dma_wait3A = arith.constant 0 : i32
        %dma_wait3A_16 = arith.constant 0 : i32
        %dma_wait3A_17 = tpu.memref_slice %arg2[%dma_wait3A, %dma_wait3A_16] : memref<10000x128xf32, #tpu.memory_space<hbm>> -> memref<10000x128xf32, #tpu.memory_space<hbm>>
        tpu.wait_indirect_dma semaphore(%arg7 : memref<!tpu.dma_semaphore, #tpu.memory_space<semaphore_mem>>) src(%dma_wait3A_17 : memref<10000x128xf32, #tpu.memory_space<hbm>>) dst(%arg6 : memref<128x128xf32, #tpu.memory_space<vmem>>)
        "tpu.region"() ({
          %run_scoped3A = tpu.sem_alloc : memref<!tpu.dma_semaphore, #tpu.memory_space<semaphore_mem>>
          %dma_start3A_18 = arith.constant 0 : i32
          %dma_start3A_19 = tpu.memref_slice %arg4[%mul3A_13, %dma_start3A_18] : memref<160000x128xf32, #tpu.memory_space<hbm>> -> memref<128x128xf32, #tpu.memory_space<hbm>>
          %dma_start3A_20 = arith.constant 0 : i32
          %dma_start3A_21 = tpu.memref_slice %arg4[%mul3A_13, %dma_start3A_20] : memref<160000x128xf32, #tpu.memory_space<hbm>> -> memref<128x128xf32, #tpu.memory_space<hbm>>
          tpu.enqueue_dma source(%arg6 : memref<128x128xf32, #tpu.memory_space<vmem>>) target(%dma_start3A_21 : memref<128x128xf32, #tpu.memory_space<hbm>>) target_semaphore(%run_scoped3A : memref<!tpu.dma_semaphore, #tpu.memory_space<semaphore_mem>>)
          %dma_wait3A_22 = arith.constant 0 : i32
          %dma_wait3A_23 = tpu.memref_slice %arg4[%mul3A_13, %dma_wait3A_22] : memref<160000x128xf32, #tpu.memory_space<hbm>> -> memref<128x128xf32, #tpu.memory_space<hbm>>
          %dma_wait3A_24 = arith.constant 0 : i32
          %dma_wait3A_25 = tpu.memref_slice %arg4[%mul3A_13, %dma_wait3A_24] : memref<160000x128xf32, #tpu.memory_space<hbm>> -> memref<128x128xf32, #tpu.memory_space<hbm>>
          tpu.wait_dma2 semaphore(%run_scoped3A : memref<!tpu.dma_semaphore, #tpu.memory_space<semaphore_mem>>) src(%arg6 : memref<128x128xf32, #tpu.memory_space<vmem>>) dst(%dma_wait3A_25 : memref<128x128xf32, #tpu.memory_space<hbm>>)
          tpu.yield
        }) : () -> ()
      } else {
      }
    }
    %scan3A_5 = arith.constant 40 : i32
    return
  }
}

#map = affine_map<(d0, d1) -> (0, 0)>
#map1 = affine_map<(d0, d1) -> (0, 0, 0)>
module attributes {stable_mosaic.version = 14 : i64} {
  func.func @_sc_scatter(%arg0: i32, %arg1: i32, %arg2: memref<160000x128xf32, #tpu.memory_space<hbm>>, %arg3: memref<1250x128xi32, #tpu.memory_space<hbm>>, %arg4: memref<16x5x128xi32, #tpu.memory_space<hbm>>, %arg5: memref<128x128xf32, #tpu.memory_space<hbm>>, %arg6: memref<2x10240x128xf32, #tpu.memory_space<hbm>>, %arg7: memref<128x128xf32, #tpu.memory_space<vmem>>, %arg8: memref<5x128xi32, #tpu.memory_space<vmem>>, %arg9: memref<1x128xi32, #tpu.memory_space<vmem>>, %arg10: memref<128x128xf32, #tpu.memory_space<vmem>>, %arg11: memref<10240x128xf32, #tpu.memory_space<vmem_shared>>, %arg12: memref<!tpu.dma_semaphore, #tpu.memory_space<semaphore_mem>>) attributes {dimension_semantics = [#tpu.dimension_semantics<core_parallel>, #tpu.dimension_semantics<subcore_parallel>], iteration_bounds = array<i64: 2, 16>, scalar_prefetch = 0 : i64, scratch_operands = 6 : i64, tpu.core_type = #tpu.core_type<sc_vector_subcore>, window_params = [{transform_indices = #map}, {transform_indices = #map}, {transform_indices = #map1}, {transform_indices = #map}, {transform_indices = #map1}]} {
    %mul3A = arith.constant 2 : i32
    %mul3A_0 = arith.muli %arg1, %mul3A : i32
    %add3A = arith.addi %mul3A_0, %arg0 : i32
    %mul3A_1 = arith.constant 640 : i32
    %mul3A_2 = arith.muli %arg1, %mul3A_1 : i32
    "tpu.region"() ({
      %run_scoped3A_91 = tpu.sem_alloc : memref<!tpu.dma_semaphore, #tpu.memory_space<semaphore_mem>>
      %dma_start3A_92 = arith.constant 0 : i32
      %dma_start3A_93 = arith.constant 0 : i32
      %dma_start3A_94 = tpu.memref_slice %arg4[%arg1, %dma_start3A_92, %dma_start3A_93] : memref<16x5x128xi32, #tpu.memory_space<hbm>> -> memref<1x5x128xi32, #tpu.memory_space<hbm>>
      %dma_start3A_95 = tpu.memref_squeeze %dma_start3A_94 : memref<1x5x128xi32, #tpu.memory_space<hbm>> -> memref<5x128xi32, #tpu.memory_space<hbm>>
      %dma_start3A_96 = arith.constant 0 : i32
      %dma_start3A_97 = arith.constant 0 : i32
      %dma_start3A_98 = tpu.memref_slice %arg4[%arg1, %dma_start3A_96, %dma_start3A_97] : memref<16x5x128xi32, #tpu.memory_space<hbm>> -> memref<1x5x128xi32, #tpu.memory_space<hbm>>
      %dma_start3A_99 = tpu.memref_squeeze %dma_start3A_98 : memref<1x5x128xi32, #tpu.memory_space<hbm>> -> memref<5x128xi32, #tpu.memory_space<hbm>>
      tpu.enqueue_dma source(%dma_start3A_99 : memref<5x128xi32, #tpu.memory_space<hbm>>) target(%arg8 : memref<5x128xi32, #tpu.memory_space<vmem>>) target_semaphore(%run_scoped3A_91 : memref<!tpu.dma_semaphore, #tpu.memory_space<semaphore_mem>>)
      %dma_wait3A_100 = arith.constant 0 : i32
      %dma_wait3A_101 = arith.constant 0 : i32
      %dma_wait3A_102 = tpu.memref_slice %arg4[%arg1, %dma_wait3A_100, %dma_wait3A_101] : memref<16x5x128xi32, #tpu.memory_space<hbm>> -> memref<1x5x128xi32, #tpu.memory_space<hbm>>
      %dma_wait3A_103 = tpu.memref_squeeze %dma_wait3A_102 : memref<1x5x128xi32, #tpu.memory_space<hbm>> -> memref<5x128xi32, #tpu.memory_space<hbm>>
      %dma_wait3A_104 = arith.constant 0 : i32
      %dma_wait3A_105 = arith.constant 0 : i32
      %dma_wait3A_106 = tpu.memref_slice %arg4[%arg1, %dma_wait3A_104, %dma_wait3A_105] : memref<16x5x128xi32, #tpu.memory_space<hbm>> -> memref<1x5x128xi32, #tpu.memory_space<hbm>>
      %dma_wait3A_107 = tpu.memref_squeeze %dma_wait3A_106 : memref<1x5x128xi32, #tpu.memory_space<hbm>> -> memref<5x128xi32, #tpu.memory_space<hbm>>
      tpu.wait_dma2 semaphore(%run_scoped3A_91 : memref<!tpu.dma_semaphore, #tpu.memory_space<semaphore_mem>>) src(%dma_wait3A_107 : memref<5x128xi32, #tpu.memory_space<hbm>>) dst(%arg8 : memref<5x128xi32, #tpu.memory_space<vmem>>)
      tpu.yield
    }) : () -> ()
    "tpu.region"() ({
      %run_scoped3A_91 = tpu.sem_alloc : memref<!tpu.dma_semaphore, #tpu.memory_space<semaphore_mem>>
      tpu.enqueue_dma source(%arg5 : memref<128x128xf32, #tpu.memory_space<hbm>>) target(%arg7 : memref<128x128xf32, #tpu.memory_space<vmem>>) target_semaphore(%run_scoped3A_91 : memref<!tpu.dma_semaphore, #tpu.memory_space<semaphore_mem>>)
      tpu.wait_dma2 semaphore(%run_scoped3A_91 : memref<!tpu.dma_semaphore, #tpu.memory_space<semaphore_mem>>) src(%arg5 : memref<128x128xf32, #tpu.memory_space<hbm>>) dst(%arg7 : memref<128x128xf32, #tpu.memory_space<vmem>>)
      tpu.yield
    }) : () -> ()
    %run_scoped3A = arith.constant 0 : i32
    "tpu.region"() ({
      %run_scoped3A_91 = tpu.sem_alloc : memref<!tpu.dma_semaphore, #tpu.memory_space<semaphore_mem>>
      %dma_start3A_92 = arith.constant 0 : i32
      %dma_start3A_93 = tpu.memref_slice %arg8[%run_scoped3A, %dma_start3A_92] : memref<5x128xi32, #tpu.memory_space<vmem>> -> memref<1x128xi32, #tpu.memory_space<vmem>>
      %dma_start3A_94 = tpu.memref_squeeze %dma_start3A_93 : memref<1x128xi32, #tpu.memory_space<vmem>> -> memref<128xi32, #tpu.memory_space<vmem>>
      %dma_start3A_95 = arith.constant 0 : i32
      %dma_start3A_96 = arith.constant 0 : i32
      %dma_start3A_97 = tpu.memref_slice %arg11[%dma_start3A_95, %dma_start3A_96] : memref<10240x128xf32, #tpu.memory_space<vmem_shared>> -> memref<10240x128xf32, #tpu.memory_space<vmem_shared>>
      tpu.enqueue_indirect_dma source(%arg7 : memref<128x128xf32, #tpu.memory_space<vmem>>) target(%dma_start3A_97 : memref<10240x128xf32, #tpu.memory_space<vmem_shared>>) offsets(%dma_start3A_94 : memref<128xi32, #tpu.memory_space<vmem>>) semaphore(%run_scoped3A_91 : memref<!tpu.dma_semaphore, #tpu.memory_space<semaphore_mem>>)
      %dma_wait3A_98 = arith.constant 0 : i32
      %dma_wait3A_99 = tpu.memref_slice %arg8[%run_scoped3A, %dma_wait3A_98] : memref<5x128xi32, #tpu.memory_space<vmem>> -> memref<1x128xi32, #tpu.memory_space<vmem>>
      %dma_wait3A_100 = tpu.memref_squeeze %dma_wait3A_99 : memref<1x128xi32, #tpu.memory_space<vmem>> -> memref<128xi32, #tpu.memory_space<vmem>>
      %dma_wait3A_101 = arith.constant 0 : i32
      %dma_wait3A_102 = arith.constant 0 : i32
      %dma_wait3A_103 = tpu.memref_slice %arg11[%dma_wait3A_101, %dma_wait3A_102] : memref<10240x128xf32, #tpu.memory_space<vmem_shared>> -> memref<10240x128xf32, #tpu.memory_space<vmem_shared>>
      tpu.wait_indirect_dma semaphore(%run_scoped3A_91 : memref<!tpu.dma_semaphore, #tpu.memory_space<semaphore_mem>>) src(%arg7 : memref<128x128xf32, #tpu.memory_space<vmem>>) dst(%dma_wait3A_103 : memref<10240x128xf32, #tpu.memory_space<vmem_shared>>)
      tpu.yield
    }) : () -> ()
    %run_scoped3A_3 = arith.constant 1 : i32
    "tpu.region"() ({
      %run_scoped3A_91 = tpu.sem_alloc : memref<!tpu.dma_semaphore, #tpu.memory_space<semaphore_mem>>
      %dma_start3A_92 = arith.constant 0 : i32
      %dma_start3A_93 = tpu.memref_slice %arg8[%run_scoped3A_3, %dma_start3A_92] : memref<5x128xi32, #tpu.memory_space<vmem>> -> memref<1x128xi32, #tpu.memory_space<vmem>>
      %dma_start3A_94 = tpu.memref_squeeze %dma_start3A_93 : memref<1x128xi32, #tpu.memory_space<vmem>> -> memref<128xi32, #tpu.memory_space<vmem>>
      %dma_start3A_95 = arith.constant 0 : i32
      %dma_start3A_96 = arith.constant 0 : i32
      %dma_start3A_97 = tpu.memref_slice %arg11[%dma_start3A_95, %dma_start3A_96] : memref<10240x128xf32, #tpu.memory_space<vmem_shared>> -> memref<10240x128xf32, #tpu.memory_space<vmem_shared>>
      tpu.enqueue_indirect_dma source(%arg7 : memref<128x128xf32, #tpu.memory_space<vmem>>) target(%dma_start3A_97 : memref<10240x128xf32, #tpu.memory_space<vmem_shared>>) offsets(%dma_start3A_94 : memref<128xi32, #tpu.memory_space<vmem>>) semaphore(%run_scoped3A_91 : memref<!tpu.dma_semaphore, #tpu.memory_space<semaphore_mem>>)
      %dma_wait3A_98 = arith.constant 0 : i32
      %dma_wait3A_99 = tpu.memref_slice %arg8[%run_scoped3A_3, %dma_wait3A_98] : memref<5x128xi32, #tpu.memory_space<vmem>> -> memref<1x128xi32, #tpu.memory_space<vmem>>
      %dma_wait3A_100 = tpu.memref_squeeze %dma_wait3A_99 : memref<1x128xi32, #tpu.memory_space<vmem>> -> memref<128xi32, #tpu.memory_space<vmem>>
      %dma_wait3A_101 = arith.constant 0 : i32
      %dma_wait3A_102 = arith.constant 0 : i32
      %dma_wait3A_103 = tpu.memref_slice %arg11[%dma_wait3A_101, %dma_wait3A_102] : memref<10240x128xf32, #tpu.memory_space<vmem_shared>> -> memref<10240x128xf32, #tpu.memory_space<vmem_shared>>
      tpu.wait_indirect_dma semaphore(%run_scoped3A_91 : memref<!tpu.dma_semaphore, #tpu.memory_space<semaphore_mem>>) src(%arg7 : memref<128x128xf32, #tpu.memory_space<vmem>>) dst(%dma_wait3A_103 : memref<10240x128xf32, #tpu.memory_space<vmem_shared>>)
      tpu.yield
    }) : () -> ()
    %run_scoped3A_4 = arith.constant 2 : i32
    "tpu.region"() ({
      %run_scoped3A_91 = tpu.sem_alloc : memref<!tpu.dma_semaphore, #tpu.memory_space<semaphore_mem>>
      %dma_start3A_92 = arith.constant 0 : i32
      %dma_start3A_93 = tpu.memref_slice %arg8[%run_scoped3A_4, %dma_start3A_92] : memref<5x128xi32, #tpu.memory_space<vmem>> -> memref<1x128xi32, #tpu.memory_space<vmem>>
      %dma_start3A_94 = tpu.memref_squeeze %dma_start3A_93 : memref<1x128xi32, #tpu.memory_space<vmem>> -> memref<128xi32, #tpu.memory_space<vmem>>
      %dma_start3A_95 = arith.constant 0 : i32
      %dma_start3A_96 = arith.constant 0 : i32
      %dma_start3A_97 = tpu.memref_slice %arg11[%dma_start3A_95, %dma_start3A_96] : memref<10240x128xf32, #tpu.memory_space<vmem_shared>> -> memref<10240x128xf32, #tpu.memory_space<vmem_shared>>
      tpu.enqueue_indirect_dma source(%arg7 : memref<128x128xf32, #tpu.memory_space<vmem>>) target(%dma_start3A_97 : memref<10240x128xf32, #tpu.memory_space<vmem_shared>>) offsets(%dma_start3A_94 : memref<128xi32, #tpu.memory_space<vmem>>) semaphore(%run_scoped3A_91 : memref<!tpu.dma_semaphore, #tpu.memory_space<semaphore_mem>>)
      %dma_wait3A_98 = arith.constant 0 : i32
      %dma_wait3A_99 = tpu.memref_slice %arg8[%run_scoped3A_4, %dma_wait3A_98] : memref<5x128xi32, #tpu.memory_space<vmem>> -> memref<1x128xi32, #tpu.memory_space<vmem>>
      %dma_wait3A_100 = tpu.memref_squeeze %dma_wait3A_99 : memref<1x128xi32, #tpu.memory_space<vmem>> -> memref<128xi32, #tpu.memory_space<vmem>>
      %dma_wait3A_101 = arith.constant 0 : i32
      %dma_wait3A_102 = arith.constant 0 : i32
      %dma_wait3A_103 = tpu.memref_slice %arg11[%dma_wait3A_101, %dma_wait3A_102] : memref<10240x128xf32, #tpu.memory_space<vmem_shared>> -> memref<10240x128xf32, #tpu.memory_space<vmem_shared>>
      tpu.wait_indirect_dma semaphore(%run_scoped3A_91 : memref<!tpu.dma_semaphore, #tpu.memory_space<semaphore_mem>>) src(%arg7 : memref<128x128xf32, #tpu.memory_space<vmem>>) dst(%dma_wait3A_103 : memref<10240x128xf32, #tpu.memory_space<vmem_shared>>)
      tpu.yield
    }) : () -> ()
    %run_scoped3A_5 = arith.constant 3 : i32
    "tpu.region"() ({
      %run_scoped3A_91 = tpu.sem_alloc : memref<!tpu.dma_semaphore, #tpu.memory_space<semaphore_mem>>
      %dma_start3A_92 = arith.constant 0 : i32
      %dma_start3A_93 = tpu.memref_slice %arg8[%run_scoped3A_5, %dma_start3A_92] : memref<5x128xi32, #tpu.memory_space<vmem>> -> memref<1x128xi32, #tpu.memory_space<vmem>>
      %dma_start3A_94 = tpu.memref_squeeze %dma_start3A_93 : memref<1x128xi32, #tpu.memory_space<vmem>> -> memref<128xi32, #tpu.memory_space<vmem>>
      %dma_start3A_95 = arith.constant 0 : i32
      %dma_start3A_96 = arith.constant 0 : i32
      %dma_start3A_97 = tpu.memref_slice %arg11[%dma_start3A_95, %dma_start3A_96] : memref<10240x128xf32, #tpu.memory_space<vmem_shared>> -> memref<10240x128xf32, #tpu.memory_space<vmem_shared>>
      tpu.enqueue_indirect_dma source(%arg7 : memref<128x128xf32, #tpu.memory_space<vmem>>) target(%dma_start3A_97 : memref<10240x128xf32, #tpu.memory_space<vmem_shared>>) offsets(%dma_start3A_94 : memref<128xi32, #tpu.memory_space<vmem>>) semaphore(%run_scoped3A_91 : memref<!tpu.dma_semaphore, #tpu.memory_space<semaphore_mem>>)
      %dma_wait3A_98 = arith.constant 0 : i32
      %dma_wait3A_99 = tpu.memref_slice %arg8[%run_scoped3A_5, %dma_wait3A_98] : memref<5x128xi32, #tpu.memory_space<vmem>> -> memref<1x128xi32, #tpu.memory_space<vmem>>
      %dma_wait3A_100 = tpu.memref_squeeze %dma_wait3A_99 : memref<1x128xi32, #tpu.memory_space<vmem>> -> memref<128xi32, #tpu.memory_space<vmem>>
      %dma_wait3A_101 = arith.constant 0 : i32
      %dma_wait3A_102 = arith.constant 0 : i32
      %dma_wait3A_103 = tpu.memref_slice %arg11[%dma_wait3A_101, %dma_wait3A_102] : memref<10240x128xf32, #tpu.memory_space<vmem_shared>> -> memref<10240x128xf32, #tpu.memory_space<vmem_shared>>
      tpu.wait_indirect_dma semaphore(%run_scoped3A_91 : memref<!tpu.dma_semaphore, #tpu.memory_space<semaphore_mem>>) src(%arg7 : memref<128x128xf32, #tpu.memory_space<vmem>>) dst(%dma_wait3A_103 : memref<10240x128xf32, #tpu.memory_space<vmem_shared>>)
      tpu.yield
    }) : () -> ()
    %run_scoped3A_6 = arith.constant 4 : i32
    "tpu.region"() ({
      %run_scoped3A_91 = tpu.sem_alloc : memref<!tpu.dma_semaphore, #tpu.memory_space<semaphore_mem>>
      %dma_start3A_92 = arith.constant 0 : i32
      %dma_start3A_93 = tpu.memref_slice %arg8[%run_scoped3A_6, %dma_start3A_92] : memref<5x128xi32, #tpu.memory_space<vmem>> -> memref<1x128xi32, #tpu.memory_space<vmem>>
      %dma_start3A_94 = tpu.memref_squeeze %dma_start3A_93 : memref<1x128xi32, #tpu.memory_space<vmem>> -> memref<128xi32, #tpu.memory_space<vmem>>
      %dma_start3A_95 = arith.constant 0 : i32
      %dma_start3A_96 = arith.constant 0 : i32
      %dma_start3A_97 = tpu.memref_slice %arg11[%dma_start3A_95, %dma_start3A_96] : memref<10240x128xf32, #tpu.memory_space<vmem_shared>> -> memref<10240x128xf32, #tpu.memory_space<vmem_shared>>
      tpu.enqueue_indirect_dma source(%arg7 : memref<128x128xf32, #tpu.memory_space<vmem>>) target(%dma_start3A_97 : memref<10240x128xf32, #tpu.memory_space<vmem_shared>>) offsets(%dma_start3A_94 : memref<128xi32, #tpu.memory_space<vmem>>) semaphore(%run_scoped3A_91 : memref<!tpu.dma_semaphore, #tpu.memory_space<semaphore_mem>>)
      %dma_wait3A_98 = arith.constant 0 : i32
      %dma_wait3A_99 = tpu.memref_slice %arg8[%run_scoped3A_6, %dma_wait3A_98] : memref<5x128xi32, #tpu.memory_space<vmem>> -> memref<1x128xi32, #tpu.memory_space<vmem>>
      %dma_wait3A_100 = tpu.memref_squeeze %dma_wait3A_99 : memref<1x128xi32, #tpu.memory_space<vmem>> -> memref<128xi32, #tpu.memory_space<vmem>>
      %dma_wait3A_101 = arith.constant 0 : i32
      %dma_wait3A_102 = arith.constant 0 : i32
      %dma_wait3A_103 = tpu.memref_slice %arg11[%dma_wait3A_101, %dma_wait3A_102] : memref<10240x128xf32, #tpu.memory_space<vmem_shared>> -> memref<10240x128xf32, #tpu.memory_space<vmem_shared>>
      tpu.wait_indirect_dma semaphore(%run_scoped3A_91 : memref<!tpu.dma_semaphore, #tpu.memory_space<semaphore_mem>>) src(%arg7 : memref<128x128xf32, #tpu.memory_space<vmem>>) dst(%dma_wait3A_103 : memref<10240x128xf32, #tpu.memory_space<vmem_shared>>)
      tpu.yield
    }) : () -> ()
    %barrier3A = arith.constant 0 : index
    tpu.barrier barrier_id(%barrier3A)
    %scan3A = arith.constant 0 : i32
    %scan3A_7 = arith.constant 0 : i32
    %scan3A_8 = arith.constant 40 : i32
    %scan3A_9 = arith.addi %scan3A_7, %scan3A_8 : i32
    %scan3A_10 = arith.constant 1 : i32
    scf.for %scan3A_91 = %scan3A_7 to %scan3A_9 step %scan3A_10  : i32 {
      %mul3A_92 = arith.constant 32 : i32
      %mul3A_93 = arith.muli %scan3A_91, %mul3A_92 : i32
      %add3A_94 = arith.addi %mul3A_93, %add3A : i32
      %lt3A = arith.constant 1250 : i32
      %lt3A_95 = arith.cmpi slt, %add3A_94, %lt3A : i32
      %convert_element_type3A = arith.extui %lt3A_95 : i1 to i32
      %cond3A = arith.constant 0 : i32
      %cond3A_96 = arith.cmpi ne, %convert_element_type3A, %cond3A : i32
      scf.if %cond3A_96 {
        "tpu.region"() ({
          %run_scoped3A_100 = tpu.sem_alloc : memref<!tpu.dma_semaphore, #tpu.memory_space<semaphore_mem>>
          %dma_start3A_101 = arith.constant 0 : i32
          %dma_start3A_102 = tpu.memref_slice %arg3[%add3A_94, %dma_start3A_101] : memref<1250x128xi32, #tpu.memory_space<hbm>> -> memref<1x128xi32, #tpu.memory_space<hbm>>
          %dma_start3A_103 = arith.constant 0 : i32
          %dma_start3A_104 = tpu.memref_slice %arg3[%add3A_94, %dma_start3A_103] : memref<1250x128xi32, #tpu.memory_space<hbm>> -> memref<1x128xi32, #tpu.memory_space<hbm>>
          tpu.enqueue_dma source(%dma_start3A_104 : memref<1x128xi32, #tpu.memory_space<hbm>>) target(%arg9 : memref<1x128xi32, #tpu.memory_space<vmem>>) target_semaphore(%run_scoped3A_100 : memref<!tpu.dma_semaphore, #tpu.memory_space<semaphore_mem>>)
          %dma_wait3A_105 = arith.constant 0 : i32
          %dma_wait3A_106 = tpu.memref_slice %arg3[%add3A_94, %dma_wait3A_105] : memref<1250x128xi32, #tpu.memory_space<hbm>> -> memref<1x128xi32, #tpu.memory_space<hbm>>
          %dma_wait3A_107 = arith.constant 0 : i32
          %dma_wait3A_108 = tpu.memref_slice %arg3[%add3A_94, %dma_wait3A_107] : memref<1250x128xi32, #tpu.memory_space<hbm>> -> memref<1x128xi32, #tpu.memory_space<hbm>>
          tpu.wait_dma2 semaphore(%run_scoped3A_100 : memref<!tpu.dma_semaphore, #tpu.memory_space<semaphore_mem>>) src(%dma_wait3A_108 : memref<1x128xi32, #tpu.memory_space<hbm>>) dst(%arg9 : memref<1x128xi32, #tpu.memory_space<vmem>>)
          tpu.yield
        }) : () -> ()
        %mul3A_97 = arith.constant 128 : i32
        %mul3A_98 = arith.muli %add3A_94, %mul3A_97 : i32
        "tpu.region"() ({
          %run_scoped3A_100 = tpu.sem_alloc : memref<!tpu.dma_semaphore, #tpu.memory_space<semaphore_mem>>
          %dma_start3A_101 = arith.constant 0 : i32
          %dma_start3A_102 = tpu.memref_slice %arg2[%mul3A_98, %dma_start3A_101] : memref<160000x128xf32, #tpu.memory_space<hbm>> -> memref<128x128xf32, #tpu.memory_space<hbm>>
          %dma_start3A_103 = arith.constant 0 : i32
          %dma_start3A_104 = tpu.memref_slice %arg2[%mul3A_98, %dma_start3A_103] : memref<160000x128xf32, #tpu.memory_space<hbm>> -> memref<128x128xf32, #tpu.memory_space<hbm>>
          tpu.enqueue_dma source(%dma_start3A_104 : memref<128x128xf32, #tpu.memory_space<hbm>>) target(%arg10 : memref<128x128xf32, #tpu.memory_space<vmem>>) target_semaphore(%run_scoped3A_100 : memref<!tpu.dma_semaphore, #tpu.memory_space<semaphore_mem>>)
          %dma_wait3A_105 = arith.constant 0 : i32
          %dma_wait3A_106 = tpu.memref_slice %arg2[%mul3A_98, %dma_wait3A_105] : memref<160000x128xf32, #tpu.memory_space<hbm>> -> memref<128x128xf32, #tpu.memory_space<hbm>>
          %dma_wait3A_107 = arith.constant 0 : i32
          %dma_wait3A_108 = tpu.memref_slice %arg2[%mul3A_98, %dma_wait3A_107] : memref<160000x128xf32, #tpu.memory_space<hbm>> -> memref<128x128xf32, #tpu.memory_space<hbm>>
          tpu.wait_dma2 semaphore(%run_scoped3A_100 : memref<!tpu.dma_semaphore, #tpu.memory_space<semaphore_mem>>) src(%dma_wait3A_108 : memref<128x128xf32, #tpu.memory_space<hbm>>) dst(%arg10 : memref<128x128xf32, #tpu.memory_space<vmem>>)
          tpu.yield
        }) : () -> ()
        %run_scoped3A_99 = arith.constant 0 : i32
        "tpu.region"() ({
          %run_scoped3A_100 = tpu.sem_alloc : memref<!tpu.dma_semaphore, #tpu.memory_space<semaphore_mem>>
          %dma_start3A_101 = arith.constant 0 : i32
          %dma_start3A_102 = tpu.memref_slice %arg9[%run_scoped3A_99, %dma_start3A_101] : memref<1x128xi32, #tpu.memory_space<vmem>> -> memref<1x128xi32, #tpu.memory_space<vmem>>
          %dma_start3A_103 = tpu.memref_squeeze %dma_start3A_102 : memref<1x128xi32, #tpu.memory_space<vmem>> -> memref<128xi32, #tpu.memory_space<vmem>>
          %dma_start3A_104 = arith.constant 0 : i32
          %dma_start3A_105 = arith.constant 0 : i32
          %dma_start3A_106 = tpu.memref_slice %arg11[%dma_start3A_104, %dma_start3A_105] : memref<10240x128xf32, #tpu.memory_space<vmem_shared>> -> memref<10240x128xf32, #tpu.memory_space<vmem_shared>>
          tpu.enqueue_indirect_dma source(%arg10 : memref<128x128xf32, #tpu.memory_space<vmem>>) target(%dma_start3A_106 : memref<10240x128xf32, #tpu.memory_space<vmem_shared>>) offsets(%dma_start3A_103 : memref<128xi32, #tpu.memory_space<vmem>>) semaphore(%run_scoped3A_100 : memref<!tpu.dma_semaphore, #tpu.memory_space<semaphore_mem>>) {add = true}
          %dma_wait3A_107 = arith.constant 0 : i32
          %dma_wait3A_108 = tpu.memref_slice %arg9[%run_scoped3A_99, %dma_wait3A_107] : memref<1x128xi32, #tpu.memory_space<vmem>> -> memref<1x128xi32, #tpu.memory_space<vmem>>
          %dma_wait3A_109 = tpu.memref_squeeze %dma_wait3A_108 : memref<1x128xi32, #tpu.memory_space<vmem>> -> memref<128xi32, #tpu.memory_space<vmem>>
          %dma_wait3A_110 = arith.constant 0 : i32
          %dma_wait3A_111 = arith.constant 0 : i32
          %dma_wait3A_112 = tpu.memref_slice %arg11[%dma_wait3A_110, %dma_wait3A_111] : memref<10240x128xf32, #tpu.memory_space<vmem_shared>> -> memref<10240x128xf32, #tpu.memory_space<vmem_shared>>
          tpu.wait_indirect_dma semaphore(%run_scoped3A_100 : memref<!tpu.dma_semaphore, #tpu.memory_space<semaphore_mem>>) src(%arg10 : memref<128x128xf32, #tpu.memory_space<vmem>>) dst(%dma_wait3A_112 : memref<10240x128xf32, #tpu.memory_space<vmem_shared>>)
          tpu.yield
        }) : () -> ()
      } else {
      }
    }
    %scan3A_11 = arith.constant 40 : i32
    %barrier3A_12 = arith.constant 0 : index
    tpu.barrier barrier_id(%barrier3A_12)
    %dma_start3A = arith.constant 0 : i32
    %dma_start3A_13 = arith.constant 0 : i32
    %dma_start3A_14 = tpu.memref_slice %arg8[%dma_start3A, %dma_start3A_13] : memref<5x128xi32, #tpu.memory_space<vmem>> -> memref<1x128xi32, #tpu.memory_space<vmem>>
    %dma_start3A_15 = tpu.memref_squeeze %dma_start3A_14 : memref<1x128xi32, #tpu.memory_space<vmem>> -> memref<128xi32, #tpu.memory_space<vmem>>
    %dma_start3A_16 = arith.constant 0 : i32
    %dma_start3A_17 = arith.constant 0 : i32
    %dma_start3A_18 = tpu.memref_slice %arg11[%dma_start3A_16, %dma_start3A_17] : memref<10240x128xf32, #tpu.memory_space<vmem_shared>> -> memref<10240x128xf32, #tpu.memory_space<vmem_shared>>
    tpu.enqueue_indirect_dma source(%dma_start3A_18 : memref<10240x128xf32, #tpu.memory_space<vmem_shared>>) target(%arg7 : memref<128x128xf32, #tpu.memory_space<vmem>>) offsets(%dma_start3A_15 : memref<128xi32, #tpu.memory_space<vmem>>) semaphore(%arg12 : memref<!tpu.dma_semaphore, #tpu.memory_space<semaphore_mem>>)
    %dma_wait3A = arith.constant 0 : i32
    %dma_wait3A_19 = arith.constant 0 : i32
    %dma_wait3A_20 = tpu.memref_slice %arg8[%dma_wait3A, %dma_wait3A_19] : memref<5x128xi32, #tpu.memory_space<vmem>> -> memref<1x128xi32, #tpu.memory_space<vmem>>
    %dma_wait3A_21 = tpu.memref_squeeze %dma_wait3A_20 : memref<1x128xi32, #tpu.memory_space<vmem>> -> memref<128xi32, #tpu.memory_space<vmem>>
    %dma_wait3A_22 = arith.constant 0 : i32
    %dma_wait3A_23 = arith.constant 0 : i32
    %dma_wait3A_24 = tpu.memref_slice %arg11[%dma_wait3A_22, %dma_wait3A_23] : memref<10240x128xf32, #tpu.memory_space<vmem_shared>> -> memref<10240x128xf32, #tpu.memory_space<vmem_shared>>
    tpu.wait_indirect_dma semaphore(%arg12 : memref<!tpu.dma_semaphore, #tpu.memory_space<semaphore_mem>>) src(%dma_wait3A_24 : memref<10240x128xf32, #tpu.memory_space<vmem_shared>>) dst(%arg7 : memref<128x128xf32, #tpu.memory_space<vmem>>)
    %add3A_25 = arith.constant 0 : i32
    %add3A_26 = arith.addi %mul3A_2, %add3A_25 : i32
    "tpu.region"() ({
      %run_scoped3A_91 = tpu.sem_alloc : memref<!tpu.dma_semaphore, #tpu.memory_space<semaphore_mem>>
      %dma_start3A_92 = arith.constant 0 : i32
      %dma_start3A_93 = tpu.memref_slice %arg6[%arg0, %add3A_26, %dma_start3A_92] : memref<2x10240x128xf32, #tpu.memory_space<hbm>> -> memref<1x128x128xf32, #tpu.memory_space<hbm>>
      %dma_start3A_94 = tpu.memref_squeeze %dma_start3A_93 : memref<1x128x128xf32, #tpu.memory_space<hbm>> -> memref<128x128xf32, #tpu.memory_space<hbm>>
      %dma_start3A_95 = arith.constant 0 : i32
      %dma_start3A_96 = tpu.memref_slice %arg6[%arg0, %add3A_26, %dma_start3A_95] : memref<2x10240x128xf32, #tpu.memory_space<hbm>> -> memref<1x128x128xf32, #tpu.memory_space<hbm>>
      %dma_start3A_97 = tpu.memref_squeeze %dma_start3A_96 : memref<1x128x128xf32, #tpu.memory_space<hbm>> -> memref<128x128xf32, #tpu.memory_space<hbm>>
      tpu.enqueue_dma source(%arg7 : memref<128x128xf32, #tpu.memory_space<vmem>>) target(%dma_start3A_97 : memref<128x128xf32, #tpu.memory_space<hbm>>) target_semaphore(%run_scoped3A_91 : memref<!tpu.dma_semaphore, #tpu.memory_space<semaphore_mem>>)
      %dma_wait3A_98 = arith.constant 0 : i32
      %dma_wait3A_99 = tpu.memref_slice %arg6[%arg0, %add3A_26, %dma_wait3A_98] : memref<2x10240x128xf32, #tpu.memory_space<hbm>> -> memref<1x128x128xf32, #tpu.memory_space<hbm>>
      %dma_wait3A_100 = tpu.memref_squeeze %dma_wait3A_99 : memref<1x128x128xf32, #tpu.memory_space<hbm>> -> memref<128x128xf32, #tpu.memory_space<hbm>>
      %dma_wait3A_101 = arith.constant 0 : i32
      %dma_wait3A_102 = tpu.memref_slice %arg6[%arg0, %add3A_26, %dma_wait3A_101] : memref<2x10240x128xf32, #tpu.memory_space<hbm>> -> memref<1x128x128xf32, #tpu.memory_space<hbm>>
      %dma_wait3A_103 = tpu.memref_squeeze %dma_wait3A_102 : memref<1x128x128xf32, #tpu.memory_space<hbm>> -> memref<128x128xf32, #tpu.memory_space<hbm>>
      tpu.wait_dma2 semaphore(%run_scoped3A_91 : memref<!tpu.dma_semaphore, #tpu.memory_space<semaphore_mem>>) src(%arg7 : memref<128x128xf32, #tpu.memory_space<vmem>>) dst(%dma_wait3A_103 : memref<128x128xf32, #tpu.memory_space<hbm>>)
      tpu.yield
    }) : () -> ()
    %dma_start3A_27 = arith.constant 1 : i32
    %dma_start3A_28 = arith.constant 0 : i32
    %dma_start3A_29 = tpu.memref_slice %arg8[%dma_start3A_27, %dma_start3A_28] : memref<5x128xi32, #tpu.memory_space<vmem>> -> memref<1x128xi32, #tpu.memory_space<vmem>>
    %dma_start3A_30 = tpu.memref_squeeze %dma_start3A_29 : memref<1x128xi32, #tpu.memory_space<vmem>> -> memref<128xi32, #tpu.memory_space<vmem>>
    %dma_start3A_31 = arith.constant 0 : i32
    %dma_start3A_32 = arith.constant 0 : i32
    %dma_start3A_33 = tpu.memref_slice %arg11[%dma_start3A_31, %dma_start3A_32] : memref<10240x128xf32, #tpu.memory_space<vmem_shared>> -> memref<10240x128xf32, #tpu.memory_space<vmem_shared>>
    tpu.enqueue_indirect_dma source(%dma_start3A_33 : memref<10240x128xf32, #tpu.memory_space<vmem_shared>>) target(%arg7 : memref<128x128xf32, #tpu.memory_space<vmem>>) offsets(%dma_start3A_30 : memref<128xi32, #tpu.memory_space<vmem>>) semaphore(%arg12 : memref<!tpu.dma_semaphore, #tpu.memory_space<semaphore_mem>>)
    %dma_wait3A_34 = arith.constant 1 : i32
    %dma_wait3A_35 = arith.constant 0 : i32
    %dma_wait3A_36 = tpu.memref_slice %arg8[%dma_wait3A_34, %dma_wait3A_35] : memref<5x128xi32, #tpu.memory_space<vmem>> -> memref<1x128xi32, #tpu.memory_space<vmem>>
    %dma_wait3A_37 = tpu.memref_squeeze %dma_wait3A_36 : memref<1x128xi32, #tpu.memory_space<vmem>> -> memref<128xi32, #tpu.memory_space<vmem>>
    %dma_wait3A_38 = arith.constant 0 : i32
    %dma_wait3A_39 = arith.constant 0 : i32
    %dma_wait3A_40 = tpu.memref_slice %arg11[%dma_wait3A_38, %dma_wait3A_39] : memref<10240x128xf32, #tpu.memory_space<vmem_shared>> -> memref<10240x128xf32, #tpu.memory_space<vmem_shared>>
    tpu.wait_indirect_dma semaphore(%arg12 : memref<!tpu.dma_semaphore, #tpu.memory_space<semaphore_mem>>) src(%dma_wait3A_40 : memref<10240x128xf32, #tpu.memory_space<vmem_shared>>) dst(%arg7 : memref<128x128xf32, #tpu.memory_space<vmem>>)
    %add3A_41 = arith.constant 128 : i32
    %add3A_42 = arith.addi %mul3A_2, %add3A_41 : i32
    "tpu.region"() ({
      %run_scoped3A_91 = tpu.sem_alloc : memref<!tpu.dma_semaphore, #tpu.memory_space<semaphore_mem>>
      %dma_start3A_92 = arith.constant 0 : i32
      %dma_start3A_93 = tpu.memref_slice %arg6[%arg0, %add3A_42, %dma_start3A_92] : memref<2x10240x128xf32, #tpu.memory_space<hbm>> -> memref<1x128x128xf32, #tpu.memory_space<hbm>>
      %dma_start3A_94 = tpu.memref_squeeze %dma_start3A_93 : memref<1x128x128xf32, #tpu.memory_space<hbm>> -> memref<128x128xf32, #tpu.memory_space<hbm>>
      %dma_start3A_95 = arith.constant 0 : i32
      %dma_start3A_96 = tpu.memref_slice %arg6[%arg0, %add3A_42, %dma_start3A_95] : memref<2x10240x128xf32, #tpu.memory_space<hbm>> -> memref<1x128x128xf32, #tpu.memory_space<hbm>>
      %dma_start3A_97 = tpu.memref_squeeze %dma_start3A_96 : memref<1x128x128xf32, #tpu.memory_space<hbm>> -> memref<128x128xf32, #tpu.memory_space<hbm>>
      tpu.enqueue_dma source(%arg7 : memref<128x128xf32, #tpu.memory_space<vmem>>) target(%dma_start3A_97 : memref<128x128xf32, #tpu.memory_space<hbm>>) target_semaphore(%run_scoped3A_91 : memref<!tpu.dma_semaphore, #tpu.memory_space<semaphore_mem>>)
      %dma_wait3A_98 = arith.constant 0 : i32
      %dma_wait3A_99 = tpu.memref_slice %arg6[%arg0, %add3A_42, %dma_wait3A_98] : memref<2x10240x128xf32, #tpu.memory_space<hbm>> -> memref<1x128x128xf32, #tpu.memory_space<hbm>>
      %dma_wait3A_100 = tpu.memref_squeeze %dma_wait3A_99 : memref<1x128x128xf32, #tpu.memory_space<hbm>> -> memref<128x128xf32, #tpu.memory_space<hbm>>
      %dma_wait3A_101 = arith.constant 0 : i32
      %dma_wait3A_102 = tpu.memref_slice %arg6[%arg0, %add3A_42, %dma_wait3A_101] : memref<2x10240x128xf32, #tpu.memory_space<hbm>> -> memref<1x128x128xf32, #tpu.memory_space<hbm>>
      %dma_wait3A_103 = tpu.memref_squeeze %dma_wait3A_102 : memref<1x128x128xf32, #tpu.memory_space<hbm>> -> memref<128x128xf32, #tpu.memory_space<hbm>>
      tpu.wait_dma2 semaphore(%run_scoped3A_91 : memref<!tpu.dma_semaphore, #tpu.memory_space<semaphore_mem>>) src(%arg7 : memref<128x128xf32, #tpu.memory_space<vmem>>) dst(%dma_wait3A_103 : memref<128x128xf32, #tpu.memory_space<hbm>>)
      tpu.yield
    }) : () -> ()
    %dma_start3A_43 = arith.constant 2 : i32
    %dma_start3A_44 = arith.constant 0 : i32
    %dma_start3A_45 = tpu.memref_slice %arg8[%dma_start3A_43, %dma_start3A_44] : memref<5x128xi32, #tpu.memory_space<vmem>> -> memref<1x128xi32, #tpu.memory_space<vmem>>
    %dma_start3A_46 = tpu.memref_squeeze %dma_start3A_45 : memref<1x128xi32, #tpu.memory_space<vmem>> -> memref<128xi32, #tpu.memory_space<vmem>>
    %dma_start3A_47 = arith.constant 0 : i32
    %dma_start3A_48 = arith.constant 0 : i32
    %dma_start3A_49 = tpu.memref_slice %arg11[%dma_start3A_47, %dma_start3A_48] : memref<10240x128xf32, #tpu.memory_space<vmem_shared>> -> memref<10240x128xf32, #tpu.memory_space<vmem_shared>>
    tpu.enqueue_indirect_dma source(%dma_start3A_49 : memref<10240x128xf32, #tpu.memory_space<vmem_shared>>) target(%arg7 : memref<128x128xf32, #tpu.memory_space<vmem>>) offsets(%dma_start3A_46 : memref<128xi32, #tpu.memory_space<vmem>>) semaphore(%arg12 : memref<!tpu.dma_semaphore, #tpu.memory_space<semaphore_mem>>)
    %dma_wait3A_50 = arith.constant 2 : i32
    %dma_wait3A_51 = arith.constant 0 : i32
    %dma_wait3A_52 = tpu.memref_slice %arg8[%dma_wait3A_50, %dma_wait3A_51] : memref<5x128xi32, #tpu.memory_space<vmem>> -> memref<1x128xi32, #tpu.memory_space<vmem>>
    %dma_wait3A_53 = tpu.memref_squeeze %dma_wait3A_52 : memref<1x128xi32, #tpu.memory_space<vmem>> -> memref<128xi32, #tpu.memory_space<vmem>>
    %dma_wait3A_54 = arith.constant 0 : i32
    %dma_wait3A_55 = arith.constant 0 : i32
    %dma_wait3A_56 = tpu.memref_slice %arg11[%dma_wait3A_54, %dma_wait3A_55] : memref<10240x128xf32, #tpu.memory_space<vmem_shared>> -> memref<10240x128xf32, #tpu.memory_space<vmem_shared>>
    tpu.wait_indirect_dma semaphore(%arg12 : memref<!tpu.dma_semaphore, #tpu.memory_space<semaphore_mem>>) src(%dma_wait3A_56 : memref<10240x128xf32, #tpu.memory_space<vmem_shared>>) dst(%arg7 : memref<128x128xf32, #tpu.memory_space<vmem>>)
    %add3A_57 = arith.constant 256 : i32
    %add3A_58 = arith.addi %mul3A_2, %add3A_57 : i32
    "tpu.region"() ({
      %run_scoped3A_91 = tpu.sem_alloc : memref<!tpu.dma_semaphore, #tpu.memory_space<semaphore_mem>>
      %dma_start3A_92 = arith.constant 0 : i32
      %dma_start3A_93 = tpu.memref_slice %arg6[%arg0, %add3A_58, %dma_start3A_92] : memref<2x10240x128xf32, #tpu.memory_space<hbm>> -> memref<1x128x128xf32, #tpu.memory_space<hbm>>
      %dma_start3A_94 = tpu.memref_squeeze %dma_start3A_93 : memref<1x128x128xf32, #tpu.memory_space<hbm>> -> memref<128x128xf32, #tpu.memory_space<hbm>>
      %dma_start3A_95 = arith.constant 0 : i32
      %dma_start3A_96 = tpu.memref_slice %arg6[%arg0, %add3A_58, %dma_start3A_95] : memref<2x10240x128xf32, #tpu.memory_space<hbm>> -> memref<1x128x128xf32, #tpu.memory_space<hbm>>
      %dma_start3A_97 = tpu.memref_squeeze %dma_start3A_96 : memref<1x128x128xf32, #tpu.memory_space<hbm>> -> memref<128x128xf32, #tpu.memory_space<hbm>>
      tpu.enqueue_dma source(%arg7 : memref<128x128xf32, #tpu.memory_space<vmem>>) target(%dma_start3A_97 : memref<128x128xf32, #tpu.memory_space<hbm>>) target_semaphore(%run_scoped3A_91 : memref<!tpu.dma_semaphore, #tpu.memory_space<semaphore_mem>>)
      %dma_wait3A_98 = arith.constant 0 : i32
      %dma_wait3A_99 = tpu.memref_slice %arg6[%arg0, %add3A_58, %dma_wait3A_98] : memref<2x10240x128xf32, #tpu.memory_space<hbm>> -> memref<1x128x128xf32, #tpu.memory_space<hbm>>
      %dma_wait3A_100 = tpu.memref_squeeze %dma_wait3A_99 : memref<1x128x128xf32, #tpu.memory_space<hbm>> -> memref<128x128xf32, #tpu.memory_space<hbm>>
      %dma_wait3A_101 = arith.constant 0 : i32
      %dma_wait3A_102 = tpu.memref_slice %arg6[%arg0, %add3A_58, %dma_wait3A_101] : memref<2x10240x128xf32, #tpu.memory_space<hbm>> -> memref<1x128x128xf32, #tpu.memory_space<hbm>>
      %dma_wait3A_103 = tpu.memref_squeeze %dma_wait3A_102 : memref<1x128x128xf32, #tpu.memory_space<hbm>> -> memref<128x128xf32, #tpu.memory_space<hbm>>
      tpu.wait_dma2 semaphore(%run_scoped3A_91 : memref<!tpu.dma_semaphore, #tpu.memory_space<semaphore_mem>>) src(%arg7 : memref<128x128xf32, #tpu.memory_space<vmem>>) dst(%dma_wait3A_103 : memref<128x128xf32, #tpu.memory_space<hbm>>)
      tpu.yield
    }) : () -> ()
    %dma_start3A_59 = arith.constant 3 : i32
    %dma_start3A_60 = arith.constant 0 : i32
    %dma_start3A_61 = tpu.memref_slice %arg8[%dma_start3A_59, %dma_start3A_60] : memref<5x128xi32, #tpu.memory_space<vmem>> -> memref<1x128xi32, #tpu.memory_space<vmem>>
    %dma_start3A_62 = tpu.memref_squeeze %dma_start3A_61 : memref<1x128xi32, #tpu.memory_space<vmem>> -> memref<128xi32, #tpu.memory_space<vmem>>
    %dma_start3A_63 = arith.constant 0 : i32
    %dma_start3A_64 = arith.constant 0 : i32
    %dma_start3A_65 = tpu.memref_slice %arg11[%dma_start3A_63, %dma_start3A_64] : memref<10240x128xf32, #tpu.memory_space<vmem_shared>> -> memref<10240x128xf32, #tpu.memory_space<vmem_shared>>
    tpu.enqueue_indirect_dma source(%dma_start3A_65 : memref<10240x128xf32, #tpu.memory_space<vmem_shared>>) target(%arg7 : memref<128x128xf32, #tpu.memory_space<vmem>>) offsets(%dma_start3A_62 : memref<128xi32, #tpu.memory_space<vmem>>) semaphore(%arg12 : memref<!tpu.dma_semaphore, #tpu.memory_space<semaphore_mem>>)
    %dma_wait3A_66 = arith.constant 3 : i32
    %dma_wait3A_67 = arith.constant 0 : i32
    %dma_wait3A_68 = tpu.memref_slice %arg8[%dma_wait3A_66, %dma_wait3A_67] : memref<5x128xi32, #tpu.memory_space<vmem>> -> memref<1x128xi32, #tpu.memory_space<vmem>>
    %dma_wait3A_69 = tpu.memref_squeeze %dma_wait3A_68 : memref<1x128xi32, #tpu.memory_space<vmem>> -> memref<128xi32, #tpu.memory_space<vmem>>
    %dma_wait3A_70 = arith.constant 0 : i32
    %dma_wait3A_71 = arith.constant 0 : i32
    %dma_wait3A_72 = tpu.memref_slice %arg11[%dma_wait3A_70, %dma_wait3A_71] : memref<10240x128xf32, #tpu.memory_space<vmem_shared>> -> memref<10240x128xf32, #tpu.memory_space<vmem_shared>>
    tpu.wait_indirect_dma semaphore(%arg12 : memref<!tpu.dma_semaphore, #tpu.memory_space<semaphore_mem>>) src(%dma_wait3A_72 : memref<10240x128xf32, #tpu.memory_space<vmem_shared>>) dst(%arg7 : memref<128x128xf32, #tpu.memory_space<vmem>>)
    %add3A_73 = arith.constant 384 : i32
    %add3A_74 = arith.addi %mul3A_2, %add3A_73 : i32
    "tpu.region"() ({
      %run_scoped3A_91 = tpu.sem_alloc : memref<!tpu.dma_semaphore, #tpu.memory_space<semaphore_mem>>
      %dma_start3A_92 = arith.constant 0 : i32
      %dma_start3A_93 = tpu.memref_slice %arg6[%arg0, %add3A_74, %dma_start3A_92] : memref<2x10240x128xf32, #tpu.memory_space<hbm>> -> memref<1x128x128xf32, #tpu.memory_space<hbm>>
      %dma_start3A_94 = tpu.memref_squeeze %dma_start3A_93 : memref<1x128x128xf32, #tpu.memory_space<hbm>> -> memref<128x128xf32, #tpu.memory_space<hbm>>
      %dma_start3A_95 = arith.constant 0 : i32
      %dma_start3A_96 = tpu.memref_slice %arg6[%arg0, %add3A_74, %dma_start3A_95] : memref<2x10240x128xf32, #tpu.memory_space<hbm>> -> memref<1x128x128xf32, #tpu.memory_space<hbm>>
      %dma_start3A_97 = tpu.memref_squeeze %dma_start3A_96 : memref<1x128x128xf32, #tpu.memory_space<hbm>> -> memref<128x128xf32, #tpu.memory_space<hbm>>
      tpu.enqueue_dma source(%arg7 : memref<128x128xf32, #tpu.memory_space<vmem>>) target(%dma_start3A_97 : memref<128x128xf32, #tpu.memory_space<hbm>>) target_semaphore(%run_scoped3A_91 : memref<!tpu.dma_semaphore, #tpu.memory_space<semaphore_mem>>)
      %dma_wait3A_98 = arith.constant 0 : i32
      %dma_wait3A_99 = tpu.memref_slice %arg6[%arg0, %add3A_74, %dma_wait3A_98] : memref<2x10240x128xf32, #tpu.memory_space<hbm>> -> memref<1x128x128xf32, #tpu.memory_space<hbm>>
      %dma_wait3A_100 = tpu.memref_squeeze %dma_wait3A_99 : memref<1x128x128xf32, #tpu.memory_space<hbm>> -> memref<128x128xf32, #tpu.memory_space<hbm>>
      %dma_wait3A_101 = arith.constant 0 : i32
      %dma_wait3A_102 = tpu.memref_slice %arg6[%arg0, %add3A_74, %dma_wait3A_101] : memref<2x10240x128xf32, #tpu.memory_space<hbm>> -> memref<1x128x128xf32, #tpu.memory_space<hbm>>
      %dma_wait3A_103 = tpu.memref_squeeze %dma_wait3A_102 : memref<1x128x128xf32, #tpu.memory_space<hbm>> -> memref<128x128xf32, #tpu.memory_space<hbm>>
      tpu.wait_dma2 semaphore(%run_scoped3A_91 : memref<!tpu.dma_semaphore, #tpu.memory_space<semaphore_mem>>) src(%arg7 : memref<128x128xf32, #tpu.memory_space<vmem>>) dst(%dma_wait3A_103 : memref<128x128xf32, #tpu.memory_space<hbm>>)
      tpu.yield
    }) : () -> ()
    %dma_start3A_75 = arith.constant 4 : i32
    %dma_start3A_76 = arith.constant 0 : i32
    %dma_start3A_77 = tpu.memref_slice %arg8[%dma_start3A_75, %dma_start3A_76] : memref<5x128xi32, #tpu.memory_space<vmem>> -> memref<1x128xi32, #tpu.memory_space<vmem>>
    %dma_start3A_78 = tpu.memref_squeeze %dma_start3A_77 : memref<1x128xi32, #tpu.memory_space<vmem>> -> memref<128xi32, #tpu.memory_space<vmem>>
    %dma_start3A_79 = arith.constant 0 : i32
    %dma_start3A_80 = arith.constant 0 : i32
    %dma_start3A_81 = tpu.memref_slice %arg11[%dma_start3A_79, %dma_start3A_80] : memref<10240x128xf32, #tpu.memory_space<vmem_shared>> -> memref<10240x128xf32, #tpu.memory_space<vmem_shared>>
    tpu.enqueue_indirect_dma source(%dma_start3A_81 : memref<10240x128xf32, #tpu.memory_space<vmem_shared>>) target(%arg7 : memref<128x128xf32, #tpu.memory_space<vmem>>) offsets(%dma_start3A_78 : memref<128xi32, #tpu.memory_space<vmem>>) semaphore(%arg12 : memref<!tpu.dma_semaphore, #tpu.memory_space<semaphore_mem>>)
    %dma_wait3A_82 = arith.constant 4 : i32
    %dma_wait3A_83 = arith.constant 0 : i32
    %dma_wait3A_84 = tpu.memref_slice %arg8[%dma_wait3A_82, %dma_wait3A_83] : memref<5x128xi32, #tpu.memory_space<vmem>> -> memref<1x128xi32, #tpu.memory_space<vmem>>
    %dma_wait3A_85 = tpu.memref_squeeze %dma_wait3A_84 : memref<1x128xi32, #tpu.memory_space<vmem>> -> memref<128xi32, #tpu.memory_space<vmem>>
    %dma_wait3A_86 = arith.constant 0 : i32
    %dma_wait3A_87 = arith.constant 0 : i32
    %dma_wait3A_88 = tpu.memref_slice %arg11[%dma_wait3A_86, %dma_wait3A_87] : memref<10240x128xf32, #tpu.memory_space<vmem_shared>> -> memref<10240x128xf32, #tpu.memory_space<vmem_shared>>
    tpu.wait_indirect_dma semaphore(%arg12 : memref<!tpu.dma_semaphore, #tpu.memory_space<semaphore_mem>>) src(%dma_wait3A_88 : memref<10240x128xf32, #tpu.memory_space<vmem_shared>>) dst(%arg7 : memref<128x128xf32, #tpu.memory_space<vmem>>)
    %add3A_89 = arith.constant 512 : i32
    %add3A_90 = arith.addi %mul3A_2, %add3A_89 : i32
    "tpu.region"() ({
      %run_scoped3A_91 = tpu.sem_alloc : memref<!tpu.dma_semaphore, #tpu.memory_space<semaphore_mem>>
      %dma_start3A_92 = arith.constant 0 : i32
      %dma_start3A_93 = tpu.memref_slice %arg6[%arg0, %add3A_90, %dma_start3A_92] : memref<2x10240x128xf32, #tpu.memory_space<hbm>> -> memref<1x128x128xf32, #tpu.memory_space<hbm>>
      %dma_start3A_94 = tpu.memref_squeeze %dma_start3A_93 : memref<1x128x128xf32, #tpu.memory_space<hbm>> -> memref<128x128xf32, #tpu.memory_space<hbm>>
      %dma_start3A_95 = arith.constant 0 : i32
      %dma_start3A_96 = tpu.memref_slice %arg6[%arg0, %add3A_90, %dma_start3A_95] : memref<2x10240x128xf32, #tpu.memory_space<hbm>> -> memref<1x128x128xf32, #tpu.memory_space<hbm>>
      %dma_start3A_97 = tpu.memref_squeeze %dma_start3A_96 : memref<1x128x128xf32, #tpu.memory_space<hbm>> -> memref<128x128xf32, #tpu.memory_space<hbm>>
      tpu.enqueue_dma source(%arg7 : memref<128x128xf32, #tpu.memory_space<vmem>>) target(%dma_start3A_97 : memref<128x128xf32, #tpu.memory_space<hbm>>) target_semaphore(%run_scoped3A_91 : memref<!tpu.dma_semaphore, #tpu.memory_space<semaphore_mem>>)
      %dma_wait3A_98 = arith.constant 0 : i32
      %dma_wait3A_99 = tpu.memref_slice %arg6[%arg0, %add3A_90, %dma_wait3A_98] : memref<2x10240x128xf32, #tpu.memory_space<hbm>> -> memref<1x128x128xf32, #tpu.memory_space<hbm>>
      %dma_wait3A_100 = tpu.memref_squeeze %dma_wait3A_99 : memref<1x128x128xf32, #tpu.memory_space<hbm>> -> memref<128x128xf32, #tpu.memory_space<hbm>>
      %dma_wait3A_101 = arith.constant 0 : i32
      %dma_wait3A_102 = tpu.memref_slice %arg6[%arg0, %add3A_90, %dma_wait3A_101] : memref<2x10240x128xf32, #tpu.memory_space<hbm>> -> memref<1x128x128xf32, #tpu.memory_space<hbm>>
      %dma_wait3A_103 = tpu.memref_squeeze %dma_wait3A_102 : memref<1x128x128xf32, #tpu.memory_space<hbm>> -> memref<128x128xf32, #tpu.memory_space<hbm>>
      tpu.wait_dma2 semaphore(%run_scoped3A_91 : memref<!tpu.dma_semaphore, #tpu.memory_space<semaphore_mem>>) src(%arg7 : memref<128x128xf32, #tpu.memory_space<vmem>>) dst(%dma_wait3A_103 : memref<128x128xf32, #tpu.memory_space<hbm>>)
      tpu.yield
    }) : () -> ()
    return
  }
}

module attributes {stable_mosaic.version = 14 : i64} {
  func.func @_final_body(%arg0: memref<10000x128xf32, #tpu.memory_space<vmem>>, %arg1: memref<2x10240x128xf32, #tpu.memory_space<vmem>>, %arg2: memref<128x16xf32, #tpu.memory_space<vmem>>, %arg3: memref<16x16xf32, #tpu.memory_space<vmem>>, %arg4: memref<1x16xf32, #tpu.memory_space<vmem>>, %arg5: memref<10000x16xf32, #tpu.memory_space<vmem>>) attributes {dimension_semantics = [], scalar_prefetch = 0 : i64, scratch_operands = 0 : i64, tpu.core_type = #tpu.core_type<tc>} {
    %get3A = arith.constant 0 : index
    %get3A_0 = arith.constant 0 : index
    %get3A_1 = vector.load %arg0[%get3A, %get3A_0] : memref<10000x128xf32, #tpu.memory_space<vmem>>, vector<10000x128xf32>
    %get3A_2 = arith.constant 0 : index
    %get3A_3 = arith.constant 0 : index
    %get3A_4 = arith.constant 0 : index
    %get3A_5 = vector.load %arg1[%get3A_2, %get3A_3, %get3A_4] : memref<2x10240x128xf32, #tpu.memory_space<vmem>>, vector<2x10240x128xf32>
    %slice3A = vector.extract_strided_slice %get3A_5 {offsets = [0, 0, 0], sizes = [1, 10000, 17], strides = [1, 1, 1]} : vector<2x10240x128xf32> to vector<1x10000x17xf32>
    %squeeze3A = vector.shape_cast %slice3A : vector<1x10000x17xf32> to vector<10000x17xf32>
    %slice3A_6 = vector.extract_strided_slice %get3A_5 {offsets = [1, 0, 0], sizes = [1, 10000, 17], strides = [1, 1, 1]} : vector<2x10240x128xf32> to vector<1x10000x17xf32>
    %squeeze3A_7 = vector.shape_cast %slice3A_6 : vector<1x10000x17xf32> to vector<10000x17xf32>
    %add3A = arith.addf %squeeze3A, %squeeze3A_7 : vector<10000x17xf32>
    %slice3A_8 = vector.extract_strided_slice %add3A {offsets = [0, 0], sizes = [10000, 16], strides = [1, 1]} : vector<10000x17xf32> to vector<10000x16xf32>
    %slice3A_9 = vector.extract_strided_slice %add3A {offsets = [0, 16], sizes = [10000, 1], strides = [1, 1]} : vector<10000x17xf32> to vector<10000x1xf32>
    %max3A = arith.constant 1.000000e+00 : f32
    %max3A_10 = vector.broadcast %max3A : f32 to vector<10000x1xf32>
    %max3A_11 = arith.maximumf %slice3A_9, %max3A_10 : vector<10000x1xf32>
    %div3A = vector.broadcast %max3A_11 : vector<10000x1xf32> to vector<10000x16xf32>
    %div3A_12 = arith.divf %slice3A_8, %div3A : vector<10000x16xf32>
    %get3A_13 = arith.constant 0 : index
    %get3A_14 = arith.constant 0 : index
    %get3A_15 = vector.load %arg2[%get3A_13, %get3A_14] : memref<128x16xf32, #tpu.memory_space<vmem>>, vector<128x16xf32>
    %dot_general3A = arith.constant dense<0.000000e+00> : vector<10000x16xf32>
    %dot_general3A_16 = tpu.matmul %get3A_1, %get3A_15, %dot_general3A {dimension_numbers = #tpu.dot_dimension_numbers<[1], [0], [0], [1], [0, 0, 1, 1], [], []>, transpose_lhs_hint = false} : vector<10000x128xf32>, vector<128x16xf32>, vector<10000x16xf32> -> vector<10000x16xf32>
    %get3A_17 = arith.constant 0 : index
    %get3A_18 = arith.constant 0 : index
    %get3A_19 = vector.load %arg3[%get3A_17, %get3A_18] : memref<16x16xf32, #tpu.memory_space<vmem>>, vector<16x16xf32>
    %dot_general3A_20 = arith.constant dense<0.000000e+00> : vector<10000x16xf32>
    %dot_general3A_21 = tpu.matmul %div3A_12, %get3A_19, %dot_general3A_20 {dimension_numbers = #tpu.dot_dimension_numbers<[1], [0], [0], [1], [0, 0, 1, 1], [], []>, transpose_lhs_hint = false} : vector<10000x16xf32>, vector<16x16xf32>, vector<10000x16xf32> -> vector<10000x16xf32>
    %add3A_22 = arith.addf %dot_general3A_16, %dot_general3A_21 : vector<10000x16xf32>
    %get3A_23 = arith.constant 0 : index
    %get3A_24 = arith.constant 0 : index
    %get3A_25 = vector.load %arg4[%get3A_23, %get3A_24] : memref<1x16xf32, #tpu.memory_space<vmem>>, vector<1x16xf32>
    %add3A_26 = vector.broadcast %get3A_25 : vector<1x16xf32> to vector<10000x16xf32>
    %add3A_27 = arith.addf %add3A_22, %add3A_26 : vector<10000x16xf32>
    %max3A_28 = arith.constant 0.000000e+00 : f32
    %max3A_29 = vector.broadcast %max3A_28 : f32 to vector<10000x16xf32>
    %max3A_30 = arith.maximumf %add3A_27, %max3A_29 : vector<10000x16xf32>
    %swap3A = arith.constant 0 : index
    %swap3A_31 = arith.constant 0 : index
    %swap3A_32 = vector.load %arg5[%swap3A, %swap3A_31] : memref<10000x16xf32, #tpu.memory_space<vmem>>, vector<10000x16xf32>
    tpu.vector_store %arg5[%swap3A, %swap3A_31], %max3A_30 {strides = array<i32>} : memref<10000x16xf32, #tpu.memory_space<vmem>>, vector<10000x16xf32>,
    return
  }
}

module attributes {stable_mosaic.version = 14 : i64} {
  func.func @_edge_body(%arg0: i32, %arg1: memref<2000x16xf32, #tpu.memory_space<vmem>>, %arg2: memref<2000x128xf32, #tpu.memory_space<vmem>>, %arg3: memref<16x2048xf32, #tpu.memory_space<vmem>>, %arg4: memref<1x2048xf32, #tpu.memory_space<vmem>>, %arg5: memref<2000x128xf32, #tpu.memory_space<vmem>>) attributes {dimension_semantics = [#tpu.dimension_semantics<arbitrary>], iteration_bounds = array<i64: 80>, scalar_prefetch = 0 : i64, scratch_operands = 0 : i64, tpu.core_type = #tpu.core_type<tc>, window_params = [{transform_indices = @transform_0, window_bounds = array<i64: 2000, 16>}, {transform_indices = @transform_1, window_bounds = array<i64: 2000, 128>}, {pipeline_mode = #tpu.pipeline_mode<synchronous>, transform_indices = @transform_2, window_bounds = array<i64: 16, 2048>}, {pipeline_mode = #tpu.pipeline_mode<synchronous>, transform_indices = @transform_3, window_bounds = array<i64: 1, 2048>}, {transform_indices = @transform_4, window_bounds = array<i64: 2000, 128>}]} {
    %get3A = arith.constant 0 : index
    %get3A_0 = arith.constant 0 : index
    %get3A_1 = vector.load %arg1[%get3A, %get3A_0] : memref<2000x16xf32, #tpu.memory_space<vmem>>, vector<2000x16xf32>
    %get3A_2 = arith.constant 0 : index
    %get3A_3 = arith.constant 0 : index
    %get3A_4 = vector.load %arg2[%get3A_2, %get3A_3] : memref<2000x128xf32, #tpu.memory_space<vmem>>, vector<2000x128xf32>
    %get3A_5 = arith.constant 0 : index
    %get3A_6 = arith.constant 0 : index
    %get3A_7 = vector.load %arg3[%get3A_5, %get3A_6] : memref<16x2048xf32, #tpu.memory_space<vmem>>, vector<16x2048xf32>
    %dot_general3A = arith.constant dense<0.000000e+00> : vector<2000x2048xf32>
    %dot_general3A_8 = tpu.matmul %get3A_1, %get3A_7, %dot_general3A {dimension_numbers = #tpu.dot_dimension_numbers<[1], [0], [0], [1], [0, 0, 1, 1], [], []>, transpose_lhs_hint = false} : vector<2000x16xf32>, vector<16x2048xf32>, vector<2000x2048xf32> -> vector<2000x2048xf32>
    %get3A_9 = arith.constant 0 : index
    %get3A_10 = arith.constant 0 : index
    %get3A_11 = vector.load %arg4[%get3A_9, %get3A_10] : memref<1x2048xf32, #tpu.memory_space<vmem>>, vector<1x2048xf32>
    %add3A = vector.broadcast %get3A_11 : vector<1x2048xf32> to vector<2000x2048xf32>
    %add3A_12 = arith.addf %dot_general3A_8, %add3A : vector<2000x2048xf32>
    %max3A = arith.constant 0.000000e+00 : f32
    %max3A_13 = vector.broadcast %max3A : f32 to vector<2000x2048xf32>
    %max3A_14 = arith.maximumf %add3A_12, %max3A_13 : vector<2000x2048xf32>
    %slice3A = vector.extract_strided_slice %max3A_14 {offsets = [0, 0], sizes = [2000, 128], strides = [1, 1]} : vector<2000x2048xf32> to vector<2000x128xf32>
    %mul3A = arith.mulf %slice3A, %get3A_4 : vector<2000x128xf32>
    %reduce_sum3A = arith.constant dense<0.000000e+00> : vector<2000xf32>
    %reduce_sum3A_15 = vector.multi_reduction <add>, %mul3A, %reduce_sum3A [1] : vector<2000x128xf32> to vector<2000xf32>
    %broadcast_in_dim3A = vector.shape_cast %reduce_sum3A_15 : vector<2000xf32> to vector<2000x1xf32>
    %slice3A_16 = vector.extract_strided_slice %max3A_14 {offsets = [0, 128], sizes = [2000, 128], strides = [1, 1]} : vector<2000x2048xf32> to vector<2000x128xf32>
    %mul3A_17 = arith.mulf %slice3A_16, %get3A_4 : vector<2000x128xf32>
    %reduce_sum3A_18 = arith.constant dense<0.000000e+00> : vector<2000xf32>
    %reduce_sum3A_19 = vector.multi_reduction <add>, %mul3A_17, %reduce_sum3A_18 [1] : vector<2000x128xf32> to vector<2000xf32>
    %broadcast_in_dim3A_20 = vector.shape_cast %reduce_sum3A_19 : vector<2000xf32> to vector<2000x1xf32>
    %slice3A_21 = vector.extract_strided_slice %max3A_14 {offsets = [0, 256], sizes = [2000, 128], strides = [1, 1]} : vector<2000x2048xf32> to vector<2000x128xf32>
    %mul3A_22 = arith.mulf %slice3A_21, %get3A_4 : vector<2000x128xf32>
    %reduce_sum3A_23 = arith.constant dense<0.000000e+00> : vector<2000xf32>
    %reduce_sum3A_24 = vector.multi_reduction <add>, %mul3A_22, %reduce_sum3A_23 [1] : vector<2000x128xf32> to vector<2000xf32>
    %broadcast_in_dim3A_25 = vector.shape_cast %reduce_sum3A_24 : vector<2000xf32> to vector<2000x1xf32>
    %slice3A_26 = vector.extract_strided_slice %max3A_14 {offsets = [0, 384], sizes = [2000, 128], strides = [1, 1]} : vector<2000x2048xf32> to vector<2000x128xf32>
    %mul3A_27 = arith.mulf %slice3A_26, %get3A_4 : vector<2000x128xf32>
    %reduce_sum3A_28 = arith.constant dense<0.000000e+00> : vector<2000xf32>
    %reduce_sum3A_29 = vector.multi_reduction <add>, %mul3A_27, %reduce_sum3A_28 [1] : vector<2000x128xf32> to vector<2000xf32>
    %broadcast_in_dim3A_30 = vector.shape_cast %reduce_sum3A_29 : vector<2000xf32> to vector<2000x1xf32>
    %slice3A_31 = vector.extract_strided_slice %max3A_14 {offsets = [0, 512], sizes = [2000, 128], strides = [1, 1]} : vector<2000x2048xf32> to vector<2000x128xf32>
    %mul3A_32 = arith.mulf %slice3A_31, %get3A_4 : vector<2000x128xf32>
    %reduce_sum3A_33 = arith.constant dense<0.000000e+00> : vector<2000xf32>
    %reduce_sum3A_34 = vector.multi_reduction <add>, %mul3A_32, %reduce_sum3A_33 [1] : vector<2000x128xf32> to vector<2000xf32>
    %broadcast_in_dim3A_35 = vector.shape_cast %reduce_sum3A_34 : vector<2000xf32> to vector<2000x1xf32>
    %slice3A_36 = vector.extract_strided_slice %max3A_14 {offsets = [0, 640], sizes = [2000, 128], strides = [1, 1]} : vector<2000x2048xf32> to vector<2000x128xf32>
    %mul3A_37 = arith.mulf %slice3A_36, %get3A_4 : vector<2000x128xf32>
    %reduce_sum3A_38 = arith.constant dense<0.000000e+00> : vector<2000xf32>
    %reduce_sum3A_39 = vector.multi_reduction <add>, %mul3A_37, %reduce_sum3A_38 [1] : vector<2000x128xf32> to vector<2000xf32>
    %broadcast_in_dim3A_40 = vector.shape_cast %reduce_sum3A_39 : vector<2000xf32> to vector<2000x1xf32>
    %slice3A_41 = vector.extract_strided_slice %max3A_14 {offsets = [0, 768], sizes = [2000, 128], strides = [1, 1]} : vector<2000x2048xf32> to vector<2000x128xf32>
    %mul3A_42 = arith.mulf %slice3A_41, %get3A_4 : vector<2000x128xf32>
    %reduce_sum3A_43 = arith.constant dense<0.000000e+00> : vector<2000xf32>
    %reduce_sum3A_44 = vector.multi_reduction <add>, %mul3A_42, %reduce_sum3A_43 [1] : vector<2000x128xf32> to vector<2000xf32>
    %broadcast_in_dim3A_45 = vector.shape_cast %reduce_sum3A_44 : vector<2000xf32> to vector<2000x1xf32>
    %slice3A_46 = vector.extract_strided_slice %max3A_14 {offsets = [0, 896], sizes = [2000, 128], strides = [1, 1]} : vector<2000x2048xf32> to vector<2000x128xf32>
    %mul3A_47 = arith.mulf %slice3A_46, %get3A_4 : vector<2000x128xf32>
    %reduce_sum3A_48 = arith.constant dense<0.000000e+00> : vector<2000xf32>
    %reduce_sum3A_49 = vector.multi_reduction <add>, %mul3A_47, %reduce_sum3A_48 [1] : vector<2000x128xf32> to vector<2000xf32>
    %broadcast_in_dim3A_50 = vector.shape_cast %reduce_sum3A_49 : vector<2000xf32> to vector<2000x1xf32>
    %slice3A_51 = vector.extract_strided_slice %max3A_14 {offsets = [0, 1024], sizes = [2000, 128], strides = [1, 1]} : vector<2000x2048xf32> to vector<2000x128xf32>
    %mul3A_52 = arith.mulf %slice3A_51, %get3A_4 : vector<2000x128xf32>
    %reduce_sum3A_53 = arith.constant dense<0.000000e+00> : vector<2000xf32>
    %reduce_sum3A_54 = vector.multi_reduction <add>, %mul3A_52, %reduce_sum3A_53 [1] : vector<2000x128xf32> to vector<2000xf32>
    %broadcast_in_dim3A_55 = vector.shape_cast %reduce_sum3A_54 : vector<2000xf32> to vector<2000x1xf32>
    %slice3A_56 = vector.extract_strided_slice %max3A_14 {offsets = [0, 1152], sizes = [2000, 128], strides = [1, 1]} : vector<2000x2048xf32> to vector<2000x128xf32>
    %mul3A_57 = arith.mulf %slice3A_56, %get3A_4 : vector<2000x128xf32>
    %reduce_sum3A_58 = arith.constant dense<0.000000e+00> : vector<2000xf32>
    %reduce_sum3A_59 = vector.multi_reduction <add>, %mul3A_57, %reduce_sum3A_58 [1] : vector<2000x128xf32> to vector<2000xf32>
    %broadcast_in_dim3A_60 = vector.shape_cast %reduce_sum3A_59 : vector<2000xf32> to vector<2000x1xf32>
    %slice3A_61 = vector.extract_strided_slice %max3A_14 {offsets = [0, 1280], sizes = [2000, 128], strides = [1, 1]} : vector<2000x2048xf32> to vector<2000x128xf32>
    %mul3A_62 = arith.mulf %slice3A_61, %get3A_4 : vector<2000x128xf32>
    %reduce_sum3A_63 = arith.constant dense<0.000000e+00> : vector<2000xf32>
    %reduce_sum3A_64 = vector.multi_reduction <add>, %mul3A_62, %reduce_sum3A_63 [1] : vector<2000x128xf32> to vector<2000xf32>
    %broadcast_in_dim3A_65 = vector.shape_cast %reduce_sum3A_64 : vector<2000xf32> to vector<2000x1xf32>
    %slice3A_66 = vector.extract_strided_slice %max3A_14 {offsets = [0, 1408], sizes = [2000, 128], strides = [1, 1]} : vector<2000x2048xf32> to vector<2000x128xf32>
    %mul3A_67 = arith.mulf %slice3A_66, %get3A_4 : vector<2000x128xf32>
    %reduce_sum3A_68 = arith.constant dense<0.000000e+00> : vector<2000xf32>
    %reduce_sum3A_69 = vector.multi_reduction <add>, %mul3A_67, %reduce_sum3A_68 [1] : vector<2000x128xf32> to vector<2000xf32>
    %broadcast_in_dim3A_70 = vector.shape_cast %reduce_sum3A_69 : vector<2000xf32> to vector<2000x1xf32>
    %slice3A_71 = vector.extract_strided_slice %max3A_14 {offsets = [0, 1536], sizes = [2000, 128], strides = [1, 1]} : vector<2000x2048xf32> to vector<2000x128xf32>
    %mul3A_72 = arith.mulf %slice3A_71, %get3A_4 : vector<2000x128xf32>
    %reduce_sum3A_73 = arith.constant dense<0.000000e+00> : vector<2000xf32>
    %reduce_sum3A_74 = vector.multi_reduction <add>, %mul3A_72, %reduce_sum3A_73 [1] : vector<2000x128xf32> to vector<2000xf32>
    %broadcast_in_dim3A_75 = vector.shape_cast %reduce_sum3A_74 : vector<2000xf32> to vector<2000x1xf32>
    %slice3A_76 = vector.extract_strided_slice %max3A_14 {offsets = [0, 1664], sizes = [2000, 128], strides = [1, 1]} : vector<2000x2048xf32> to vector<2000x128xf32>
    %mul3A_77 = arith.mulf %slice3A_76, %get3A_4 : vector<2000x128xf32>
    %reduce_sum3A_78 = arith.constant dense<0.000000e+00> : vector<2000xf32>
    %reduce_sum3A_79 = vector.multi_reduction <add>, %mul3A_77, %reduce_sum3A_78 [1] : vector<2000x128xf32> to vector<2000xf32>
    %broadcast_in_dim3A_80 = vector.shape_cast %reduce_sum3A_79 : vector<2000xf32> to vector<2000x1xf32>
    %slice3A_81 = vector.extract_strided_slice %max3A_14 {offsets = [0, 1792], sizes = [2000, 128], strides = [1, 1]} : vector<2000x2048xf32> to vector<2000x128xf32>
    %mul3A_82 = arith.mulf %slice3A_81, %get3A_4 : vector<2000x128xf32>
    %reduce_sum3A_83 = arith.constant dense<0.000000e+00> : vector<2000xf32>
    %reduce_sum3A_84 = vector.multi_reduction <add>, %mul3A_82, %reduce_sum3A_83 [1] : vector<2000x128xf32> to vector<2000xf32>
    %broadcast_in_dim3A_85 = vector.shape_cast %reduce_sum3A_84 : vector<2000xf32> to vector<2000x1xf32>
    %slice3A_86 = vector.extract_strided_slice %max3A_14 {offsets = [0, 1920], sizes = [2000, 128], strides = [1, 1]} : vector<2000x2048xf32> to vector<2000x128xf32>
    %mul3A_87 = arith.mulf %slice3A_86, %get3A_4 : vector<2000x128xf32>
    %reduce_sum3A_88 = arith.constant dense<0.000000e+00> : vector<2000xf32>
    %reduce_sum3A_89 = vector.multi_reduction <add>, %mul3A_87, %reduce_sum3A_88 [1] : vector<2000x128xf32> to vector<2000xf32>
    %broadcast_in_dim3A_90 = vector.shape_cast %reduce_sum3A_89 : vector<2000xf32> to vector<2000x1xf32>
    %broadcast_in_dim3A_91 = arith.constant 1.000000e+00 : f32
    %broadcast_in_dim3A_92 = vector.broadcast %broadcast_in_dim3A_91 : f32 to vector<2000x1xf32>
    %broadcast_in_dim3A_93 = arith.constant 0.000000e+00 : f32
    %broadcast_in_dim3A_94 = vector.broadcast %broadcast_in_dim3A_93 : f32 to vector<2000x111xf32>
    %concatenate3A = tpu.concatenate %broadcast_in_dim3A, %broadcast_in_dim3A_20, %broadcast_in_dim3A_25, %broadcast_in_dim3A_30, %broadcast_in_dim3A_35, %broadcast_in_dim3A_40, %broadcast_in_dim3A_45, %broadcast_in_dim3A_50, %broadcast_in_dim3A_55, %broadcast_in_dim3A_60, %broadcast_in_dim3A_65, %broadcast_in_dim3A_70, %broadcast_in_dim3A_75, %broadcast_in_dim3A_80, %broadcast_in_dim3A_85, %broadcast_in_dim3A_90, %broadcast_in_dim3A_92, %broadcast_in_dim3A_94 in 1 : vector<2000x1xf32>, vector<2000x1xf32>, vector<2000x1xf32>, vector<2000x1xf32>, vector<2000x1xf32>, vector<2000x1xf32>, vector<2000x1xf32>, vector<2000x1xf32>, vector<2000x1xf32>, vector<2000x1xf32>, vector<2000x1xf32>, vector<2000x1xf32>, vector<2000x1xf32>, vector<2000x1xf32>, vector<2000x1xf32>, vector<2000x1xf32>, vector<2000x1xf32>, vector<2000x111xf32> -> vector<2000x128xf32>
    %swap3A = arith.constant 0 : index
    %swap3A_95 = arith.constant 0 : index
    %swap3A_96 = vector.load %arg5[%swap3A, %swap3A_95] : memref<2000x128xf32, #tpu.memory_space<vmem>>, vector<2000x128xf32>
    tpu.vector_store %arg5[%swap3A, %swap3A_95], %concatenate3A {strides = array<i32>} : memref<2000x128xf32, #tpu.memory_space<vmem>>, vector<2000x128xf32>,
    return
  }
  func.func @transform_0(%arg0: i32) -> (i32, i32) {
    %c0_i32 = arith.constant 0 : i32
    %c0_i32_0 = arith.constant 0 : i32
    return %arg0, %c0_i32 : i32, i32
  }
  func.func @transform_1(%arg0: i32) -> (i32, i32) {
    %c0_i32 = arith.constant 0 : i32
    %c0_i32_0 = arith.constant 0 : i32
    return %arg0, %c0_i32 : i32, i32
  }
  func.func @transform_2(%arg0: i32) -> (i32, i32) {
    %c0_i32 = arith.constant 0 : i32
    %c0_i32_0 = arith.constant 0 : i32
    %c0_i32_1 = arith.constant 0 : i32
    return %c0_i32, %c0_i32_0 : i32, i32
  }
  func.func @transform_3(%arg0: i32) -> (i32, i32) {
    %c0_i32 = arith.constant 0 : i32
    %c0_i32_0 = arith.constant 0 : i32
    %c0_i32_1 = arith.constant 0 : i32
    return %c0_i32, %c0_i32_0 : i32, i32
  }
  func.func @transform_4(%arg0: i32) -> (i32, i32) {
    %c0_i32 = arith.constant 0 : i32
    %c0_i32_0 = arith.constant 0 : i32
    return %arg0, %c0_i32 : i32, i32
  }
}

</mosaic_0001>

<sc_bundles>
// kernel: kernel.6.cloned.1.call-start
scs
__scs_entry_jumppad:
0x0: {  	(pc) =	sbr.rel $0x88, $3  }
0x1: {  	(tag) =	ssettag $0x0;
	lr =	simm.s32 $0x1  }
0x2: {  	[smem:$0x3F9A] =	sst lr;
	_ =	strace $0xD0000000  }
0x3: {  	_ = 	snop  }
0x4: {  	_ = 	snop  }
0x5: {  	_ = 	snop  }
0x6: {  	_ = 	snop  }
0x7: {  	_ = 	snop  }
__scs_overlays_trampoline_lowered:
0x8: {  	[smem:$0x3FA9] =	sst s0  }
0x9: {  	[smem:$0x3FAA] =	sst s1  }
0xa: {  	[smem:$0x3FAB] =	sst s2  }
0xb: {  	[smem:$0x3FAC] =	sst s3  }
0xc: {  	[smem:$0x3FAD] =	sst s4  }
0xd: {  	[smem:$0x3FAE] =	sst s5  }
0xe: {  	[smem:$0x3FAF] =	sst s6  }
0xf: {  	[smem:$0x3FB0] =	sst s7  }
0x10: {  	[smem:$0x3FB1] =	sst s8  }
0x11: {  	[smem:$0x3FB2] =	sst s9;
	s0 =	simm.s32 @!p0 $0x0  }
0x12: {  	s1 =	sld [smem:$0x3F98];
	s0 =	simm.s32 @p0 $0x1  }
0x13: {  	[smem:$0x3FB3] =	sst s0;
	s0 =	simm.s32 @!p1 $0x0  }
0x14: {  	s2 =	sld [smem:$0x3F97];
	s0 =	simm.s32 @p1 $0x1  }
0x15: {  	[smem:$0x3FB4] =	sst s0;
	s0 =	simm.s32 @!p2 $0x0  }
0x16: {  	s3 =	sld [smem:$0x3FDB];
	s0 =	simm.s32 @p2 $0x1  }
0x17: {  	s4 =	simm.s32 $0x1BF5;
	[smem:$0x3FB6] =	sst s0  }
0x18: {  	s0 =	sld [smem:$0x3F99];
	_ =	swait.ge [sflag:s4], $0x0  }
0x19: {  	s7 =	sld [smem:$0x3F9A]  }
0x1a: {  	s8 =	sadd.s32 $0xFFFFE003, lr  }
0x1b: {  	s9 =	sadd.s32 $0xFFFFFEF7, lr;
	s5 =	simm.s32 $0xFFFFFFFF;
	p2 =	slt.u32 s8, $0xFFFFF086  }
0x1c: {  	p1 =	slt.u32 s9, $0xF7A;
	s5 =	simm.s32 @!p2 $0x0  }
0x1d: {  	s5 =	simm.s32 @p1 $0x1;
	p0 =	seq.s32 s7, s2  }
0x1e: {  	s7 =	smul.u32 @!p0 $0xF7A, s2;
	p2 =	seq.s32 @!p0 s5, $0x0  }
0x1f: {  	s9 =	smul.u32 $0xF7A, s1;
	s8 =	simm.s32 @!p0 $0x1BF5;
	p2 =	por !p2, p0  }
0x20: {  	[sflag:s8] =	ssyncset.s32 @!p0 $0xFFFFF086;
	s6 =	sadd.s32 @!p0 s3, s7;
	s7 =	simm.s32 @!p0 $0x108  }
0x21: {  	s3 =	sadd.s32 s3, s9;
	s6 =	sadd.s32 @!p0 $0x88, s6;
	s7 =	simm.s32 @p2 $0x1082  }
0x22: {  	[simem:s7], [sflag:s8] =	dma.local @!p0 [hbm:s6], $0xF7A  }
0x23: {  	s9 =	sor.u32 $0xD0000000, s2;
	s6 =	simm.s32 $0x108;
	_ =	swait.ge @!p0 [sflag:s8], $0x0  }
0x24: {  	s3 =	sadd.s32 $0x88, s3;
	s6 =	simm.s32 @!p1 $0x1082;
	[sflag:s4] =	ssyncset.s32 $0xFFFFF086  }
0x25: {  	[simem:s6], [sflag:s4] =	dma.local [hbm:s3], $0xF7A  }
0x26: {  	[smem:$0x3F9A] =	sst s1;
	(tag) =	ssettag s2;
	_ =	strace s9  }
0x27: {  	s1 =	sld [smem:$0x3FAA]  }
0x28: {  	s2 =	sld [smem:$0x3FAB]  }
0x29: {  	s4 =	sld [smem:$0x3FAD]  }
0x2a: {  	p0 =	seq.s32 s5, $0x0;
	s5 =	sld [smem:$0x3FAE]  }
0x2b: {  	s6 =	sld [smem:$0x3FAF]  }
0x2c: {  	s7 =	sld [smem:$0x3FB0]  }
0x2d: {  	s3 =	simm.s32 $0x108;
	s8 =	sld [smem:$0x3FB1]  }
0x2e: {  	s3 =	simm.s32 @!p0 $0x1082;
	s9 =	sld [smem:$0x3FB2]  }
0x2f: {  	lr =	sadd.s32 s0, s3;
	s0 =	sld [smem:$0x3FA9]  }
0x30: {  	s3 =	sld [smem:$0x3FAC]  }
0x31: {  	[smem:$0x3FB5] =	sst s10  }
0x32: {  	s10 =	sld [smem:$0x3FB3];
	_ =	sdelay $0x3  }
0x33: {  	p0 =	seq.s32 s10, $0x1;
	s10 =	sld [smem:$0x3FB5];
	_ =	sdelay $0x3  }
0x34: {  	[smem:$0x3FB5] =	sst s10  }
0x35: {  	s10 =	sld [smem:$0x3FB4];
	_ =	sdelay $0x3  }
0x36: {  	p1 =	seq.s32 s10, $0x1;
	s10 =	sld [smem:$0x3FB5];
	_ =	sdelay $0x3  }
0x37: {  	[smem:$0x3FB5] =	sst s10  }
0x38: {  	s10 =	sld [smem:$0x3FB6]  }
0x39: {  	_ = 	snop;
	(pc) =	sbr.ind lr, $3  }
0x3a: {  	_ = 	snop  }
0x3b: {  	_ = 	snop  }
0x3c: {  	p2 =	seq.s32 s10, $0x1;
	s10 =	sld [smem:$0x3FB5]  }
0x3d: {  	_ =	shalt  }
0x3e: {  	_ =	shalt  }
0x3f: {  	_ =	shalt  }
0x40: {  	_ =	shalt  }
0x41: {  	_ =	shalt  }
0x42: {  	_ =	shalt  }
0x43: {  	_ =	shalt  }
0x44: {  	_ =	shalt  }
0x45: {  	_ =	shalt  }
0x46: {  	_ =	shalt  }
0x47: {  	_ =	shalt  }
0x48: {  	_ =	shalt  }
0x49: {  	_ =	shalt  }
0x4a: {  	_ =	shalt  }
0x4b: {  	_ =	shalt  }
0x4c: {  	_ =	shalt  }
0x4d: {  	_ =	shalt  }
0x4e: {  	_ =	shalt  }
0x4f: {  	_ =	shalt  }
0x50: {  	_ =	shalt  }
0x51: {  	_ =	shalt  }
0x52: {  	_ =	shalt  }
0x53: {  	_ =	shalt  }
0x54: {  	_ =	shalt  }
0x55: {  	_ =	shalt  }
0x56: {  	_ =	shalt  }
0x57: {  	_ =	shalt  }
0x58: {  	_ =	shalt  }
0x59: {  	_ =	shalt  }
0x5a: {  	_ =	shalt  }
0x5b: {  	_ =	shalt  }
0x5c: {  	_ =	shalt  }
0x5d: {  	_ =	shalt  }
0x5e: {  	_ =	shalt  }
0x5f: {  	_ =	shalt  }
0x60: {  	_ =	shalt  }
0x61: {  	_ =	shalt  }
0x62: {  	_ =	shalt  }
0x63: {  	_ =	shalt  }
0x64: {  	_ =	shalt  }
0x65: {  	_ =	shalt  }
0x66: {  	_ =	shalt  }
0x67: {  	_ =	shalt  }
0x68: {  	_ =	shalt  }
0x69: {  	_ =	shalt  }
0x6a: {  	_ =	shalt  }
0x6b: {  	_ =	shalt  }
0x6c: {  	_ =	shalt  }
0x6d: {  	_ =	shalt  }
0x6e: {  	_ =	shalt  }
0x6f: {  	_ =	shalt  }
0x70: {  	_ =	shalt  }
0x71: {  	_ =	shalt  }
0x72: {  	_ =	shalt  }
0x73: {  	_ =	shalt  }
0x74: {  	_ =	shalt  }
0x75: {  	_ =	shalt  }
0x76: {  	_ =	shalt  }
0x77: {  	_ =	shalt  }
0x78: {  	_ =	shalt  }
0x79: {  	_ =	shalt  }
0x7a: {  	_ =	shalt  }
0x7b: {  	_ =	shalt  }
0x7c: {  	_ =	shalt  }
0x7d: {  	_ =	shalt  }
0x7e: {  	_ =	shalt  }
0x7f: {  	_ =	shalt  }
0x80: {  	_ =	shalt  }
0x81: {  	_ =	shalt  }
0x82: {  	_ =	shalt  }
0x83: {  	_ =	shalt  }
0x84: {  	_ =	shalt  }
0x85: {  	_ =	shalt  }
0x86: {  	_ =	shalt  }
0x87: {  	_ =	shalt  }
.Lfunc_end0:
.L_simem_size_0:
called_computation_lowered:
.L_overlay_start_0:
0x88: {  	s2 =	sld [smem:$0x3FD9]  }
0x89: {  	s3 =	sld [smem:$0x3FFE];
	_ =	sdelay $0x1  }
0x8a: {  	s1 =	srdreg.scid  }
0x8b: {  	s0 =	sand.u32 $0x1, s1  }
0x8c: {  	s17 =	sshll.u32 s0, $0xA;
	s2 =	sadd.s32 s3, s2  }
0x8d: {  	s2 =	sadd.s32 s2, s17  }
0x8e: {  	[smem:$0x3FC1] =	sst s2  }
0x8f: {  	_ = 	snop  }
0x90: {  	s2 =	sld [smem:$0x3FC9];
	(tm) =	ssettm $0x1  }
0x91: {  	s18 =	sld [smem:$0x3FFB];
	_ =	sdelay $0x3  }
0x92: {  	_ =	strace s18  }
0x93: {  	s3 =	sld [smem:$0x3FFC];
	_ =	sdelay $0x3  }
0x94: {  	_ =	strace s3  }
0x95: {  	s3 =	sld [smem:$0x3FFD];
	_ =	sdelay $0x3  }
0x96: {  	_ =	strace s3  }
0x97: {  	_ =	strace $0x8FFFFFFF  }
0x98: {  	s19 =	sld [smem:$0x3FDB];
	_ =	sdelay $0x1  }
0x99: {  	s4 =	simm.s32 $_scs_section_size  }
0x9a: {  	s5 =	simm.s32 $_size__tile_overlayer_lowered;
	s6 =	simm.s32 $_tile_overlayer_lowered  }
0x9b: {  	s22 =	simm.s32 $0x1BFF;
	s21 =	sshll.u32 s6, $0x1;
	s3 =	sadd.s32 s4, s19  }
0x9c: {  	s7 =	simm.s32 $0x0;
	s20 =	sshll.u32 s5, $0x1;
	s5 =	sadd.s32 s21, s3  }
0x9d: {  	[timem:s7], [sflag:s22] =	dma.local [hbm:s5], s20  }
0x9e: {  	_ =	swait.ge [sflag:s22], s20  }
0x9f: {  	s4 =	ssub.s32 $0x0, s20;
	[sflag:s22] =	ssyncset.done $0x0  }
0xa0: {  	[sflag:s22] =	ssyncadd.s32 s4;
	_ =	sdelay $0x1  }
0xa1: {  	s23 =	simm.s32 $0x1B8B  }
0xa2: {  	_ =	swait.ge [sflag:s23], $0x1  }
0xa3: {  	[sflag:s23] =	ssyncset.done $0x0  }
0xa4: {  	s25 =	simm.s32 $0x1B8E;
	s24 =	sld [smem:$0x3FFE];
	[sflag:s23] =	ssyncadd.s32 $0xFFFFFFFF  }
0xa5: {  	s26 =	simm.s32 $execute0_lowered;
	[smem:$0x3FD2] =	sst s25  }
0xa6: {  	s5 =	sshll.u32 s26, $0x1;
	_ =	strace $0x80000046;
	[dreg:$0x1] =	wrdreg $0xFFFFFFFF  }
0xa7: {  	s28 =	simm.s32 $_size_execute0_lowered;
	s3 =	sadd.s32 s3, s5;
	[dreg:$0x0] =	wrdreg $0x0  }
0xa8: {  	s5 =	sshll.u32 s28, $0x1;
	[dreg:$0x2] =	wrdreg s3  }
0xa9: {  	[dreg:$0x3] =	wrdreg s5  }
0xaa: {  	[dreg:$0x4] =	wrdreg $0xC0  }
0xab: {  	_ =	task [dreg:s7], $0x5FFFF  }
0xac: {  	[dreg:$0x1] =	wrdreg $0xFFFFFFFF  }
0xad: {  	[dreg:$0x0] =	wrdreg $0x60  }
0xae: {  	[dreg:$0x2] =	wrdreg s2  }
0xaf: {  	[dreg:$0x3] =	wrdreg s24  }
0xb0: {  	[dreg:$0x4] =	wrdreg $0x9  }
0xb1: {  	_ =	task.clear_ibuf [dreg:s7], $0x5FFFF;
	_ =	strace $0x90000046  }
0xb2: {  	s29 =	simm.s32 $0x9;
	_ =	strace $0x80000048  }
0xb3: {  	_ =	swait.ge [sflag:s29], $0x1  }
0xb4: {  	[sflag:s29] =	ssyncadd.s32 $0xFFFFFFFF  }
0xb5: {  	_ =	strace $0x90000048  }
0xb6: {  	_ =	sfence  }
0xb7: {  	s30 =	sld [smem:$0x0];
	_ =	sdelay $0x2  }
0xb8: {  	s31 =	sshll.u32 s1, $0xD;
	s1 =	sshrl.u32 s1, $0x2  }
0xb9: {  	s3 =	sand.u32 $0x4000, s31;
	s1 =	sadd.s32 s1, s30  }
0xba: {  	s0 =	sor.u32 s3, s0;
	s1 =	sshll.u32 s1, $0x11  }
0xbb: {  	s0 =	sor.u32 s1, s0  }
0xbc: {  	s0 =	sadd.s32 $0x8F2B, s0  }
0xbd: {  	[sflag:s0] =	ssyncadd.remote.s32 $0x1  }
0xbe: {  	_ =	sfence.sel $0xFFFF  }
0xbf: {  	[dreg:$0x0] =	wrdreg $0xFFFFFFFF;
	(pc) =	sbr.abs _section_cstart, $3  }
0xc0: {  	[dreg:$0x1] =	wrdreg $0xFFFFFFFF  }
0xc1: {  	_ =	task.clear_ibuf [dreg:s7], $0x2FFFF;
	_ =	strace $0x9FFFFFFF  }
0xc2: {  	(tm) =	ssettm $0x7FFFFFFF  }
0xc3: {  	_ =	shalt  }
tec
execute0_lowered:
.L_overlay_start_1:
0x0: {  	(tag) =	ssettag $0x1  }
0x1: {  	s1 =	rddreg [dreg:$0x0]  }
0x2: {  	s4 =	rddreg [dreg:$0x1]  }
0x3: {  	s0 =	rddreg [dreg:$0x2]  }
0x4: {  	s3 =	simm.s32 $0x0;
	s5 =	srdreg.scid;
	s2 =	stileid.u32  }
0x5: {  	[smem:$0x7FF] =	sst s3;
	s5 =	sand.u32 $0x1, s5;
	s6 =	sshll.u32 s2, $0x5  }
0x6: {  	s7 =	sshll.u32 s2, $0xC;
	_ =	strace $0x80000047;
	s8 =	ssub.s32 $0x2, s5  }
0x7: {  	s6 =	sadd.s32 s6, s4;
	s7 =	sadd.s32 s7, s4;
	s9 =	sshll.u32 s5, $0xB  }
0x8: {  	s5 =	sshll.u32 s5, $0x4;
	s4 =	sshll.u32 s2, $0x1;
	s30 =	sshrl.u32 s8, $0x1  }
0x9: {  	s7 =	sadd.s32 s9, s7;
	s31 =	sadd.s32 s5, s6;
	s8 =	ssub.s32 s8, s30  }
0xa: {  	s6 =	sadd.s32 $0x6A00, s7;
	s7 =	sadd.s32 $0x1A00, s31;
	s5 =	smax.u32 s8, $0x1  }
.LBB2_1:
0xb: {  	s8 =	sadd.s32 $0x0, s4  }
0xc: {  	p0 =	sgt.u32 s8, $0x4E1  }
0xd: {  	s8 =	simm.s32 @!p0 $0x0;
	s9 =	simm.s32 @!p0 $0x3  }
0xe: {  	[tilespmem:s8], [sflag:$0x3] =	stream.linear.gather @!p0 [hbm4b:s7+s8], $0x80, $0x38;
	[tilespmem:$0x4080] =	vst v63  }
0xf: {  	_ =	swait.ge @!p0 [sflag:s9], $0x80  }
0x10: {  	[sflag:s9] =	ssyncset.done @!p0 $0x0;
	p0 =	por p0, p0  }
0x11: {  	[sflag:s9] =	ssyncadd.s32 @!p0 $0xFFFFFF80;
	s10 =	simm.s32 @!p0 $0x80;
	s11 =	simm.s32 @!p0 $0x1  }
0x12: {  	[tilespmem:s10], [sflag:$0x1] =	stream.indirect.gather @!p0 [hbm4b:s1+s10], $0x80, s8, s10, $0xb8;
	[tilespmem:$0x4080] =	vst v63  }
0x13: {  	_ =	swait.ge @!p0 [sflag:s11], $0x4000  }
0x14: {  	[sflag:s11] =	ssyncset.done @!p0 $0x0  }
0x15: {  	s31 =	sadd.s32 $0x20, s4;
	[sflag:s11] =	ssyncadd.s32 @!p0 $0xFFFFC000;
	s11 =	simm.s32 @!p0 $0x2  }
0x16: {  	[hbm4b:s6+s8] =	stream.linear.scatter @!p0 [tilespmem:s10], [sflag:$0x2], $0x4000, $0x38;
	[tilespmem:$0x4080] =	vst v63  }
0x17: {  	p1 =	sgt.u32 s31, $0x4E1;
	s9 =	simm.s32 $0x40;
	_ =	swait.ge @!p0 [sflag:s11], $0x4000  }
0x18: {  	s10 =	sadd.s32 $0x200, s7;
	s8 =	sadd.s32 $0x10000, s6;
	[sflag:s11] =	ssyncset.done @!p0 $0x0  }
.LBB2_2:
0x19: {  	s12 =	simm.s32 @!p1 $0x0;
	s13 =	simm.s32 @!p1 $0x3;
	[sflag:s11] =	ssyncadd.s32 @!p0 $0xFFFFC000  }
0x1a: {  	[tilespmem:s12], [sflag:$0x3] =	stream.linear.gather @!p1 [hbm4b:s10+s12], $0x80, $0x38;
	[tilespmem:$0x4080] =	vst v63  }
0x1b: {  	s14 =	smov.u32 s9;
	s9 =	sadd.s32 $0x20, s9;
	_ =	swait.ge @!p1 [sflag:s13], $0x80  }
0x1c: {  	p0 =	por p1, p1;
	p2 =	sne.s32 s9, $0x500;
	[sflag:s13] =	ssyncset.done @!p1 $0x0  }
0x1d: {  	s11 =	simm.s32 @!p0 $0x1;
	[sflag:s13] =	ssyncadd.s32 @!p0 $0xFFFFFF80;
	s13 =	simm.s32 @!p0 $0x80  }
0x1e: {  	[tilespmem:s13], [sflag:$0x1] =	stream.indirect.gather @!p0 [hbm4b:s1+s13], $0x80, s12, s13, $0xb8;
	[tilespmem:$0x4080] =	vst v63  }
0x1f: {  	_ =	swait.ge @!p0 [sflag:s11], $0x4000  }
.Ltmp0:
0x20: {  	[sflag:s11] =	ssyncset.done @!p0 $0x0;
	(pc) =	sbr.rel @p2 .LBB2_2-.Ltmp0, $4  }
0x21: {  	[sflag:s11] =	ssyncadd.s32 @!p0 $0xFFFFC000;
	s11 =	simm.s32 @!p0 $0x2  }
0x22: {  	[hbm4b:s8+s12] =	stream.linear.scatter @!p0 [tilespmem:s13], [sflag:$0x2], $0x4000, $0x38;
	[tilespmem:$0x4080] =	vst v63  }
0x23: {  	s10 =	sadd.s32 $0x200, s10;
	s12 =	sadd.s32 s14, s4;
	_ =	swait.ge @!p0 [sflag:s11], $0x4000  }
0x24: {  	s8 =	sadd.s32 $0x10000, s8;
	p1 =	sgt.u32 s12, $0x4E1;
	[sflag:s11] =	ssyncset.done @!p0 $0x0  }
0x25: {  	s9 =	simm.s32 @!p1 $0x0;
	s12 =	simm.s32 @!p1 $0x3;
	[sflag:s11] =	ssyncadd.s32 @!p0 $0xFFFFC000  }
0x26: {  	[tilespmem:s9], [sflag:$0x3] =	stream.linear.gather @!p1 [hbm4b:s10+s9], $0x80, $0x38;
	[tilespmem:$0x4080] =	vst v63  }
0x27: {  	_ =	swait.ge @!p1 [sflag:s12], $0x80  }
0x28: {  	p0 =	por p1, p1;
	[sflag:s12] =	ssyncset.done @!p1 $0x0  }
0x29: {  	s10 =	simm.s32 @!p0 $0x80;
	s11 =	simm.s32 @!p0 $0x1;
	[sflag:s12] =	ssyncadd.s32 @!p0 $0xFFFFFF80  }
0x2a: {  	[tilespmem:s10], [sflag:$0x1] =	stream.indirect.gather @!p0 [hbm4b:s1+s10], $0x80, s9, s10, $0xb8;
	[tilespmem:$0x4080] =	vst v63  }
0x2b: {  	s3 =	sadd.s32 $0x1, s3;
	_ =	swait.ge @!p0 [sflag:s11], $0x4000  }
0x2c: {  	p1 =	sne.s32 s3, s5;
	[sflag:s11] =	ssyncset.done @!p0 $0x0  }
.Ltmp1:
0x2d: {  	[sflag:s11] =	ssyncadd.s32 @!p0 $0xFFFFC000;
	s11 =	simm.s32 @!p0 $0x2;
	(pc) =	sbr.rel @p1 .LBB2_1-.Ltmp1, $4  }
0x2e: {  	[hbm4b:s8+s9] =	stream.linear.scatter @!p0 [tilespmem:s10], [sflag:$0x2], $0x4000, $0x38;
	[tilespmem:$0x4080] =	vst v63  }
0x2f: {  	_ =	swait.ge @!p0 [sflag:s11], $0x4000  }
0x30: {  	[sflag:s11] =	ssyncset.done @!p0 $0x0  }
0x31: {  	[sflag:s11] =	ssyncadd.s32 @!p0 $0xFFFFC000  }
0x32: {  	_ =	sfence.sel $0x180000  }
0x33: {  	[bflag:$0x0] =	sbarrier.arrive $0xFFFF  }
0x34: {  	p0 =	sne.s32 s2, $0x0;
	_ =	strace $0x90000047  }
0x35: {  	s0 =	sadd.s32 @!p0 $0x100000, s0;
	[bflag:$0x2] =	sbarrier.arrive $0xFFFF  }
0x36: {  	[sflag:s0] =	ssyncadd.tile.s32 @!p0 $0x1;
	_ =	shalt  }
.Lfunc_end2:
_tile_overlayer_lowered:
.L_overlay_start_2:
0x37: {  	(tag) =	ssettag $0x2  }
0x38: {  	s0 =	rddreg [dreg:$0x0];
	s2 =	stileid.u32  }
0x39: {  	s1 =	rddreg [dreg:$0x1];
	p0 =	sne.s32 s2, $0x0  }
0x3a: {  	s3 =	rddreg [dreg:$0x2];
	[bflag:$0x3] =	sbarrier.arrive $0xFFFF;
	s2 =	simm.s32 @!p0 $0x1C02  }
0x3b: {  	[timem:s3], [sflag:s2] =	dma.local @!p0 [hbm:s0], s1  }
0x3c: {  	s0 =	simm.s32 @!p0 $0x2  }
0x3d: {  	_ =	swait.ge @!p0 [sflag:s0], s1  }
0x3e: {  	s1 =	ssub.s32 @!p0 $0x0, s1;
	[sflag:s0] =	ssyncset.done @!p0 $0x0  }
0x3f: {  	[sflag:s0] =	ssyncadd.s32 @!p0 s1  }
0x40: {  	[bflag:$0x3] =	sbarrier.arrive $0xFFFF  }
0x41: {  	_ =	shalt  }

// kernel: kernel.9.cloned.1.call-start
scs
__scs_entry_jumppad:
0x0: {  	(pc) =	sbr.rel $0x88, $3  }
0x1: {  	(tag) =	ssettag $0x0;
	lr =	simm.s32 $0x1  }
0x2: {  	[smem:$0x3F9A] =	sst lr;
	_ =	strace $0xD0000000  }
0x3: {  	_ = 	snop  }
0x4: {  	_ = 	snop  }
0x5: {  	_ = 	snop  }
0x6: {  	_ = 	snop  }
0x7: {  	_ = 	snop  }
__scs_overlays_trampoline_lowered:
0x8: {  	[smem:$0x3FA9] =	sst s0  }
0x9: {  	[smem:$0x3FAA] =	sst s1  }
0xa: {  	[smem:$0x3FAB] =	sst s2  }
0xb: {  	[smem:$0x3FAC] =	sst s3  }
0xc: {  	[smem:$0x3FAD] =	sst s4  }
0xd: {  	[smem:$0x3FAE] =	sst s5  }
0xe: {  	[smem:$0x3FAF] =	sst s6  }
0xf: {  	[smem:$0x3FB0] =	sst s7  }
0x10: {  	[smem:$0x3FB1] =	sst s8  }
0x11: {  	[smem:$0x3FB2] =	sst s9;
	s0 =	simm.s32 @!p0 $0x0  }
0x12: {  	s1 =	sld [smem:$0x3F98];
	s0 =	simm.s32 @p0 $0x1  }
0x13: {  	[smem:$0x3FB3] =	sst s0;
	s0 =	simm.s32 @!p1 $0x0  }
0x14: {  	s2 =	sld [smem:$0x3F97];
	s0 =	simm.s32 @p1 $0x1  }
0x15: {  	[smem:$0x3FB4] =	sst s0;
	s0 =	simm.s32 @!p2 $0x0  }
0x16: {  	s3 =	sld [smem:$0x3FDB];
	s0 =	simm.s32 @p2 $0x1  }
0x17: {  	s4 =	simm.s32 $0x1BF5;
	[smem:$0x3FB6] =	sst s0  }
0x18: {  	s0 =	sld [smem:$0x3F99];
	_ =	swait.ge [sflag:s4], $0x0  }
0x19: {  	s7 =	sld [smem:$0x3F9A]  }
0x1a: {  	s8 =	sadd.s32 $0xFFFFE003, lr  }
0x1b: {  	s9 =	sadd.s32 $0xFFFFFEF7, lr;
	s5 =	simm.s32 $0xFFFFFFFF;
	p2 =	slt.u32 s8, $0xFFFFF086  }
0x1c: {  	p1 =	slt.u32 s9, $0xF7A;
	s5 =	simm.s32 @!p2 $0x0  }
0x1d: {  	s5 =	simm.s32 @p1 $0x1;
	p0 =	seq.s32 s7, s2  }
0x1e: {  	s7 =	smul.u32 @!p0 $0xF7A, s2;
	p2 =	seq.s32 @!p0 s5, $0x0  }
0x1f: {  	s9 =	smul.u32 $0xF7A, s1;
	s8 =	simm.s32 @!p0 $0x1BF5;
	p2 =	por !p2, p0  }
0x20: {  	[sflag:s8] =	ssyncset.s32 @!p0 $0xFFFFF086;
	s6 =	sadd.s32 @!p0 s3, s7;
	s7 =	simm.s32 @!p0 $0x108  }
0x21: {  	s3 =	sadd.s32 s3, s9;
	s6 =	sadd.s32 @!p0 $0x88, s6;
	s7 =	simm.s32 @p2 $0x1082  }
0x22: {  	[simem:s7], [sflag:s8] =	dma.local @!p0 [hbm:s6], $0xF7A  }
0x23: {  	s9 =	sor.u32 $0xD0000000, s2;
	s6 =	simm.s32 $0x108;
	_ =	swait.ge @!p0 [sflag:s8], $0x0  }
0x24: {  	s3 =	sadd.s32 $0x88, s3;
	s6 =	simm.s32 @!p1 $0x1082;
	[sflag:s4] =	ssyncset.s32 $0xFFFFF086  }
0x25: {  	[simem:s6], [sflag:s4] =	dma.local [hbm:s3], $0xF7A  }
0x26: {  	[smem:$0x3F9A] =	sst s1;
	(tag) =	ssettag s2;
	_ =	strace s9  }
0x27: {  	s1 =	sld [smem:$0x3FAA]  }
0x28: {  	s2 =	sld [smem:$0x3FAB]  }
0x29: {  	s4 =	sld [smem:$0x3FAD]  }
0x2a: {  	p0 =	seq.s32 s5, $0x0;
	s5 =	sld [smem:$0x3FAE]  }
0x2b: {  	s6 =	sld [smem:$0x3FAF]  }
0x2c: {  	s7 =	sld [smem:$0x3FB0]  }
0x2d: {  	s3 =	simm.s32 $0x108;
	s8 =	sld [smem:$0x3FB1]  }
0x2e: {  	s3 =	simm.s32 @!p0 $0x1082;
	s9 =	sld [smem:$0x3FB2]  }
0x2f: {  	lr =	sadd.s32 s0, s3;
	s0 =	sld [smem:$0x3FA9]  }
0x30: {  	s3 =	sld [smem:$0x3FAC]  }
0x31: {  	[smem:$0x3FB5] =	sst s10  }
0x32: {  	s10 =	sld [smem:$0x3FB3];
	_ =	sdelay $0x3  }
0x33: {  	p0 =	seq.s32 s10, $0x1;
	s10 =	sld [smem:$0x3FB5];
	_ =	sdelay $0x3  }
0x34: {  	[smem:$0x3FB5] =	sst s10  }
0x35: {  	s10 =	sld [smem:$0x3FB4];
	_ =	sdelay $0x3  }
0x36: {  	p1 =	seq.s32 s10, $0x1;
	s10 =	sld [smem:$0x3FB5];
	_ =	sdelay $0x3  }
0x37: {  	[smem:$0x3FB5] =	sst s10  }
0x38: {  	s10 =	sld [smem:$0x3FB6]  }
0x39: {  	_ = 	snop;
	(pc) =	sbr.ind lr, $3  }
0x3a: {  	_ = 	snop  }
0x3b: {  	_ = 	snop  }
0x3c: {  	p2 =	seq.s32 s10, $0x1;
	s10 =	sld [smem:$0x3FB5]  }
0x3d: {  	_ =	shalt  }
0x3e: {  	_ =	shalt  }
0x3f: {  	_ =	shalt  }
0x40: {  	_ =	shalt  }
0x41: {  	_ =	shalt  }
0x42: {  	_ =	shalt  }
0x43: {  	_ =	shalt  }
0x44: {  	_ =	shalt  }
0x45: {  	_ =	shalt  }
0x46: {  	_ =	shalt  }
0x47: {  	_ =	shalt  }
0x48: {  	_ =	shalt  }
0x49: {  	_ =	shalt  }
0x4a: {  	_ =	shalt  }
0x4b: {  	_ =	shalt  }
0x4c: {  	_ =	shalt  }
0x4d: {  	_ =	shalt  }
0x4e: {  	_ =	shalt  }
0x4f: {  	_ =	shalt  }
0x50: {  	_ =	shalt  }
0x51: {  	_ =	shalt  }
0x52: {  	_ =	shalt  }
0x53: {  	_ =	shalt  }
0x54: {  	_ =	shalt  }
0x55: {  	_ =	shalt  }
0x56: {  	_ =	shalt  }
0x57: {  	_ =	shalt  }
0x58: {  	_ =	shalt  }
0x59: {  	_ =	shalt  }
0x5a: {  	_ =	shalt  }
0x5b: {  	_ =	shalt  }
0x5c: {  	_ =	shalt  }
0x5d: {  	_ =	shalt  }
0x5e: {  	_ =	shalt  }
0x5f: {  	_ =	shalt  }
0x60: {  	_ =	shalt  }
0x61: {  	_ =	shalt  }
0x62: {  	_ =	shalt  }
0x63: {  	_ =	shalt  }
0x64: {  	_ =	shalt  }
0x65: {  	_ =	shalt  }
0x66: {  	_ =	shalt  }
0x67: {  	_ =	shalt  }
0x68: {  	_ =	shalt  }
0x69: {  	_ =	shalt  }
0x6a: {  	_ =	shalt  }
0x6b: {  	_ =	shalt  }
0x6c: {  	_ =	shalt  }
0x6d: {  	_ =	shalt  }
0x6e: {  	_ =	shalt  }
0x6f: {  	_ =	shalt  }
0x70: {  	_ =	shalt  }
0x71: {  	_ =	shalt  }
0x72: {  	_ =	shalt  }
0x73: {  	_ =	shalt  }
0x74: {  	_ =	shalt  }
0x75: {  	_ =	shalt  }
0x76: {  	_ =	shalt  }
0x77: {  	_ =	shalt  }
0x78: {  	_ =	shalt  }
0x79: {  	_ =	shalt  }
0x7a: {  	_ =	shalt  }
0x7b: {  	_ =	shalt  }
0x7c: {  	_ =	shalt  }
0x7d: {  	_ =	shalt  }
0x7e: {  	_ =	shalt  }
0x7f: {  	_ =	shalt  }
0x80: {  	_ =	shalt  }
0x81: {  	_ =	shalt  }
0x82: {  	_ =	shalt  }
0x83: {  	_ =	shalt  }
0x84: {  	_ =	shalt  }
0x85: {  	_ =	shalt  }
0x86: {  	_ =	shalt  }
0x87: {  	_ =	shalt  }
.Lfunc_end0:
.L_simem_size_0:
called_computation.1_lowered:
.L_overlay_start_0:
0x88: {  	s2 =	sld [smem:$0x3FD9]  }
0x89: {  	s3 =	sld [smem:$0x3FFE];
	_ =	sdelay $0x1  }
0x8a: {  	s1 =	srdreg.scid  }
0x8b: {  	s0 =	sand.u32 $0x1, s1  }
0x8c: {  	s17 =	sshll.u32 s0, $0xA;
	s2 =	sadd.s32 s3, s2  }
0x8d: {  	s2 =	sadd.s32 s2, s17  }
0x8e: {  	[smem:$0x3FC1] =	sst s2  }
0x8f: {  	_ = 	snop  }
0x90: {  	s2 =	sld [smem:$0x3FD0];
	(tm) =	ssettm $0x1  }
0x91: {  	s18 =	sld [smem:$0x3FFB];
	_ =	sdelay $0x3  }
0x92: {  	_ =	strace s18  }
0x93: {  	s3 =	sld [smem:$0x3FFC];
	_ =	sdelay $0x3  }
0x94: {  	_ =	strace s3  }
0x95: {  	s3 =	sld [smem:$0x3FFD];
	_ =	sdelay $0x3  }
0x96: {  	_ =	strace s3  }
0x97: {  	_ =	strace $0x8FFFFFFF  }
0x98: {  	s19 =	sld [smem:$0x3FDB];
	_ =	sdelay $0x1  }
0x99: {  	s4 =	simm.s32 $_scs_section_size  }
0x9a: {  	s5 =	simm.s32 $_size__tile_overlayer_lowered;
	s6 =	simm.s32 $_tile_overlayer_lowered  }
0x9b: {  	s22 =	simm.s32 $0x1BFF;
	s21 =	sshll.u32 s6, $0x1;
	s3 =	sadd.s32 s4, s19  }
0x9c: {  	s7 =	simm.s32 $0x0;
	s20 =	sshll.u32 s5, $0x1;
	s5 =	sadd.s32 s21, s3  }
0x9d: {  	[timem:s7], [sflag:s22] =	dma.local [hbm:s5], s20  }
0x9e: {  	_ =	swait.ge [sflag:s22], s20  }
0x9f: {  	s4 =	ssub.s32 $0x0, s20;
	[sflag:s22] =	ssyncset.done $0x0  }
0xa0: {  	[sflag:s22] =	ssyncadd.s32 s4;
	_ =	sdelay $0x1  }
0xa1: {  	s23 =	simm.s32 $0x1B8B  }
0xa2: {  	_ =	swait.ge [sflag:s23], $0x1  }
0xa3: {  	[sflag:s23] =	ssyncset.done $0x0  }
0xa4: {  	s25 =	simm.s32 $0x1B8E;
	s24 =	sld [smem:$0x3FFE];
	[sflag:s23] =	ssyncadd.s32 $0xFFFFFFFF  }
0xa5: {  	s26 =	simm.s32 $execute0_lowered;
	[smem:$0x3FD2] =	sst s25  }
0xa6: {  	s5 =	sshll.u32 s26, $0x1;
	_ =	strace $0x80000049;
	[dreg:$0x1] =	wrdreg $0xFFFFFFFF  }
0xa7: {  	s28 =	simm.s32 $_size_execute0_lowered;
	s3 =	sadd.s32 s3, s5;
	[dreg:$0x0] =	wrdreg $0x0  }
0xa8: {  	s5 =	sshll.u32 s28, $0x1;
	[dreg:$0x2] =	wrdreg s3  }
0xa9: {  	[dreg:$0x3] =	wrdreg s5  }
0xaa: {  	[dreg:$0x4] =	wrdreg $0xC0  }
0xab: {  	_ =	task [dreg:s7], $0x5FFFF  }
0xac: {  	[dreg:$0x1] =	wrdreg $0xFFFFFFFF  }
0xad: {  	[dreg:$0x0] =	wrdreg $0x60  }
0xae: {  	[dreg:$0x2] =	wrdreg s24  }
0xaf: {  	[dreg:$0x3] =	wrdreg s2  }
0xb0: {  	[dreg:$0x4] =	wrdreg $0x84800  }
0xb1: {  	[dreg:$0x5] =	wrdreg $0x9  }
0xb2: {  	_ =	task.clear_ibuf [dreg:s7], $0x6FFFF;
	_ =	strace $0x90000049  }
0xb3: {  	s29 =	simm.s32 $0x9;
	_ =	strace $0x8000004B  }
0xb4: {  	_ =	swait.ge [sflag:s29], $0x1  }
0xb5: {  	[sflag:s29] =	ssyncadd.s32 $0xFFFFFFFF  }
0xb6: {  	_ =	strace $0x9000004B  }
0xb7: {  	_ =	sfence  }
0xb8: {  	s30 =	sld [smem:$0x0];
	_ =	sdelay $0x2  }
0xb9: {  	s31 =	sshll.u32 s1, $0xD;
	s1 =	sshrl.u32 s1, $0x2  }
0xba: {  	s3 =	sand.u32 $0x4000, s31;
	s1 =	sadd.s32 s1, s30  }
0xbb: {  	s0 =	sor.u32 s3, s0;
	s1 =	sshll.u32 s1, $0x11  }
0xbc: {  	s0 =	sor.u32 s1, s0  }
0xbd: {  	s0 =	sadd.s32 $0x8F2B, s0  }
0xbe: {  	[sflag:s0] =	ssyncadd.remote.s32 $0x1  }
0xbf: {  	_ =	sfence.sel $0xFFFF  }
0xc0: {  	[dreg:$0x0] =	wrdreg $0xFFFFFFFF;
	(pc) =	sbr.abs _section_cstart, $3  }
0xc1: {  	[dreg:$0x1] =	wrdreg $0xFFFFFFFF  }
0xc2: {  	_ =	task.clear_ibuf [dreg:s7], $0x2FFFF;
	_ =	strace $0x9FFFFFFF  }
0xc3: {  	(tm) =	ssettm $0x7FFFFFFF  }
tec
execute0_lowered:
.L_overlay_start_1:
0x0: {  	(tag) =	ssettag $0x1  }
0x1: {  	s5 =	rddreg [dreg:$0x0]  }
0x2: {  	s12 =	rddreg [dreg:$0x1]  }
0x3: {  	s1 =	rddreg [dreg:$0x2];
	s2 =	srdreg.scid;
	s3 =	simm.s32 $0x0  }
0x4: {  	s0 =	stileid.u32;
	s19 =	simm.s32 $0x4100;
	s20 =	simm.s32 $0x4180  }
0x5: {  	s21 =	simm.s32 $0x4200;
	s22 =	simm.s32 $0x1;
	s23 =	simm.s32 $0x0  }
0x6: {  	s14 =	sand.u32 $0x1, s2;
	[smem:$0x7FF] =	sst s3;
	s6 =	sshll.u32 s0, $0xC  }
0x7: {  	s7 =	smul.u32 $0x14000, s0;
	s31 =	sshll.u32 s0, $0x7;
	s15 =	sshll.u32 s0, $0x1  }
0x8: {  	s16 =	sshll.u32 s0, $0x5;
	s4 =	smul.u32 $0x140000, s14;
	_ =	strace $0x8000004A  }
0x9: {  	s13 =	sadd.s32 s6, s5;
	s6 =	sadd.s32 s31, s5;
	s8 =	ssub.s32 $0x2, s14  }
0xa: {  	s17 =	sshll.u32 s14, $0x4;
	s18 =	sshll.u32 s14, $0xB;
	s14 =	sor.u32 s14, s15  }
0xb: {  	s15 =	simm.s32 $0x4000;
	s9 =	sshrl.u32 s8, $0x1;
	s16 =	sor.u32 s17, s16  }
0xc: {  	s13 =	sadd.s32 s18, s13;
	s18 =	simm.s32 $0x4080;
	s7 =	sadd.s32 s7, s4  }
0xd: {  	s4 =	sadd.s32 $0x1A00, s5;
	s11 =	ssub.s32 s8, s9;
	s17 =	sand.u32 $0x180, s16  }
0xe: {  	s16 =	sand.u32 $0x70, s16;
	s13 =	sadd.s32 $0x4E9200, s13;
	s7 =	sshrl.u32 s7, $0x3  }
0xf: {  	s11 =	smax.u32 s11, $0x1;
	s12 =	sadd.s32 s17, s12;
	s17 =	simm.s32 $0x80  }
0x10: {  	s10 =	sadd.s32 s7, s5;
	s5 =	sadd.s32 $0x4E8A00, s6;
	s12 =	sadd.s32 s16, s12  }
0x11: {  	s16 =	simm.s32 $0x2;
	s6 =	sadd.s32 $0x2200, s10;
	s7 =	sadd.s32 $0x2A00, s10  }
0x12: {  	s8 =	sadd.s32 $0x3200, s10;
	s9 =	sadd.s32 $0x3A00, s10;
	s10 =	sadd.s32 $0x4200, s10  }
.LBB2_1:
0x13: {  	[tilespmem:s15], [sflag:$0x2] =	stream.linear.gather [hbm4b:s5+s3], $0x280, $0x38;
	[tilespmem:$0x1C480] =	vst v63  }
0x14: {  	_ =	swait.ge [sflag:s16], $0x280  }
0x15: {  	[sflag:s16] =	ssyncset.done $0x0  }
0x16: {  	[sflag:s16] =	ssyncadd.s32 $0xFFFFFD80  }
0x17: {  	[tilespmem:s3], [sflag:$0x2] =	stream.linear.gather [hbm4b:s4+s3], $0x4000, $0x38;
	[tilespmem:$0x1C480] =	vst v63  }
0x18: {  	_ =	swait.ge [sflag:s16], $0x4000  }
0x19: {  	[sflag:s16] =	ssyncset.done $0x0  }
0x1a: {  	[sflag:s16] =	ssyncadd.s32 $0xFFFFC000  }
0x1b: {  	[spmem:s1] =	stream.indirect.scatter [tilespmem:s3], [sflag:$0x2], $0x80, s15, s17, $0xb8;
	[tilespmem:$0x1C480] =	vst v63  }
0x1c: {  	_ =	swait.ge [sflag:s16], $0x4000  }
0x1d: {  	[sflag:s16] =	ssyncset.done $0x0  }
0x1e: {  	[sflag:s16] =	ssyncadd.s32 $0xFFFFC000  }
0x1f: {  	[spmem:s1] =	stream.indirect.scatter [tilespmem:s3], [sflag:$0x2], $0x80, s18, s17, $0xb8;
	[tilespmem:$0x1C480] =	vst v63  }
0x20: {  	_ =	swait.ge [sflag:s16], $0x4000  }
0x21: {  	[sflag:s16] =	ssyncset.done $0x0  }
0x22: {  	[sflag:s16] =	ssyncadd.s32 $0xFFFFC000  }
0x23: {  	[spmem:s1] =	stream.indirect.scatter [tilespmem:s3], [sflag:$0x2], $0x80, s19, s17, $0xb8;
	[tilespmem:$0x1C480] =	vst v63  }
0x24: {  	_ =	swait.ge [sflag:s16], $0x4000  }
0x25: {  	[sflag:s16] =	ssyncset.done $0x0  }
0x26: {  	[sflag:s16] =	ssyncadd.s32 $0xFFFFC000  }
0x27: {  	[spmem:s1] =	stream.indirect.scatter [tilespmem:s3], [sflag:$0x2], $0x80, s20, s17, $0xb8;
	[tilespmem:$0x1C480] =	vst v63  }
0x28: {  	_ =	swait.ge [sflag:s16], $0x4000  }
0x29: {  	[sflag:s16] =	ssyncset.done $0x0  }
0x2a: {  	[sflag:s16] =	ssyncadd.s32 $0xFFFFC000  }
0x2b: {  	[spmem:s1] =	stream.indirect.scatter [tilespmem:s3], [sflag:$0x2], $0x80, s21, s17, $0xb8;
	[tilespmem:$0x1C480] =	vst v63  }
0x2c: {  	s24 =	sadd.s32 $0x0, s14;
	_ =	swait.ge [sflag:s16], $0x4000  }
0x2d: {  	p0 =	sgt.u32 s24, $0x4E1;
	[sflag:s16] =	ssyncset.done $0x0  }
0x2e: {  	s24 =	simm.s32 @!p0 $0x0;
	[sflag:s16] =	ssyncadd.s32 $0xFFFFC000  }
0x2f: {  	s26 =	simm.s32 @!p0 $0x4400;
	s28 =	simm.s32 @!p0 $0x3;
	[bflag:$0x0] =	sbarrier.arrive $0xFFFF  }
0x30: {  	[tilespmem:s26], [sflag:$0x3] =	stream.linear.gather @!p0 [hbm4b:s12+s24], $0x80, $0x38;
	[tilespmem:$0x1C480] =	vst v63  }
0x31: {  	_ =	swait.ge @!p0 [sflag:s28], $0x80;
	p0 =	por p0, p0  }
0x32: {  	[sflag:s28] =	ssyncset.done @!p0 $0x0  }
0x33: {  	s29 =	simm.s32 @!p0 $0x4480;
	[sflag:s28] =	ssyncadd.s32 @!p0 $0xFFFFFF80  }
0x34: {  	[tilespmem:s29], [sflag:$0x3] =	stream.linear.gather @!p0 [hbm4b:s13+s24], $0x4000, $0x38;
	[tilespmem:$0x1C480] =	vst v63  }
0x35: {  	s31 =	sadd.s32 $0x20, s14;
	_ =	swait.ge @!p0 [sflag:s28], $0x4000  }
0x36: {  	s25 =	simm.s32 $0x40;
	p1 =	sgt.u32 s31, $0x4E1;
	[sflag:s28] =	ssyncset.done @!p0 $0x0  }
0x37: {  	s24 =	simm.s32 @!p0 $0x80;
	[sflag:s28] =	ssyncadd.s32 @!p0 $0xFFFFC000;
	s28 =	simm.s32 @!p0 $0x2  }
0x38: {  	[spmem:s1] =	stream.indirect.scatter.add.f32 @!p0 [tilespmem:s29], [sflag:$0x2], $0x80, s26, s24, $0xb8;
	[tilespmem:$0x1C480] =	vst v63  }
0x39: {  	s24 =	sadd.s32 $0x10000, s13;
	s26 =	sadd.s32 $0x200, s12;
	_ =	swait.ge @!p0 [sflag:s28], $0x4000  }
.LBB2_2:
0x3a: {  	s29 =	simm.s32 @!p1 $0x0  }
0x3b: {  	s30 =	simm.s32 @!p1 $0x4400;
	[sflag:s28] =	ssyncset.done @!p0 $0x0;
	s31 =	smov.u32 s25  }
0x3c: {  	s25 =	sadd.s32 $0x20, s25;
	s0 =	simm.s32 @!p1 $0x3;
	[sflag:s28] =	ssyncadd.s32 @!p0 $0xFFFFC000  }
0x3d: {  	[tilespmem:s30], [sflag:$0x3] =	stream.linear.gather @!p1 [hbm4b:s26+s29], $0x80, $0x38;
	[tilespmem:$0x1C480] =	vst v63  }
0x3e: {  	p2 =	sne.s32 s25, $0x500;
	p0 =	por p1, p1;
	_ =	swait.ge @!p1 [sflag:s0], $0x80  }
0x3f: {  	[sflag:s0] =	ssyncset.done @!p0 $0x0  }
0x40: {  	s2 =	simm.s32 @!p0 $0x4480;
	[sflag:s0] =	ssyncadd.s32 @!p0 $0xFFFFFF80  }
0x41: {  	[tilespmem:s2], [sflag:$0x3] =	stream.linear.gather @!p0 [hbm4b:s24+s29], $0x4000, $0x38;
	[tilespmem:$0x1C480] =	vst v63  }
.Ltmp0:
0x42: {  	_ =	swait.ge @!p0 [sflag:s0], $0x4000;
	(pc) =	sbr.rel @p2 .LBB2_2-.Ltmp0, $4  }
0x43: {  	s28 =	simm.s32 @!p0 $0x2;
	s24 =	sadd.s32 $0x10000, s24;
	[sflag:s0] =	ssyncset.done @!p0 $0x0  }
0x44: {  	s29 =	sadd.s32 s31, s14;
	[sflag:s0] =	ssyncadd.s32 @!p0 $0xFFFFC000;
	s0 =	simm.s32 @!p0 $0x80  }
0x45: {  	[spmem:s1] =	stream.indirect.scatter.add.f32 @!p0 [tilespmem:s2], [sflag:$0x2], $0x80, s30, s0, $0xb8;
	[tilespmem:$0x1C480] =	vst v63  }
0x46: {  	s26 =	sadd.s32 $0x200, s26;
	p1 =	sgt.u32 s29, $0x4E1;
	_ =	swait.ge @!p0 [sflag:s28], $0x4000  }
0x47: {  	s0 =	simm.s32 @!p1 $0x0;
	[sflag:s28] =	ssyncset.done @!p0 $0x0  }
0x48: {  	s2 =	simm.s32 @!p1 $0x4400;
	s25 =	simm.s32 @!p1 $0x3;
	[sflag:s28] =	ssyncadd.s32 @!p0 $0xFFFFC000  }
0x49: {  	[tilespmem:s2], [sflag:$0x3] =	stream.linear.gather @!p1 [hbm4b:s26+s0], $0x80, $0x38;
	[tilespmem:$0x1C480] =	vst v63  }
0x4a: {  	p0 =	por p1, p1;
	_ =	swait.ge @!p1 [sflag:s25], $0x80  }
0x4b: {  	[sflag:s25] =	ssyncset.done @!p0 $0x0  }
0x4c: {  	s26 =	simm.s32 @!p0 $0x4480;
	[sflag:s25] =	ssyncadd.s32 @!p0 $0xFFFFFF80  }
0x4d: {  	[tilespmem:s26], [sflag:$0x3] =	stream.linear.gather @!p0 [hbm4b:s24+s0], $0x4000, $0x38;
	[tilespmem:$0x1C480] =	vst v63  }
0x4e: {  	_ =	swait.ge @!p0 [sflag:s25], $0x4000  }
0x4f: {  	[sflag:s25] =	ssyncset.done @!p0 $0x0  }
0x50: {  	s0 =	simm.s32 @!p0 $0x2;
	s24 =	simm.s32 @!p0 $0x80;
	[sflag:s25] =	ssyncadd.s32 @!p0 $0xFFFFC000  }
0x51: {  	[spmem:s1] =	stream.indirect.scatter.add.f32 @!p0 [tilespmem:s26], [sflag:$0x2], $0x80, s2, s24, $0xb8;
	[tilespmem:$0x1C480] =	vst v63  }
0x52: {  	_ =	swait.ge @!p0 [sflag:s0], $0x4000  }
0x53: {  	[sflag:s0] =	ssyncset.done @!p0 $0x0  }
0x54: {  	[sflag:s0] =	ssyncadd.s32 @!p0 $0xFFFFC000  }
0x55: {  	[bflag:$0x0] =	sbarrier.arrive $0xFFFF  }
0x56: {  	[tilespmem:s3], [sflag:$0x1] =	stream.indirect.gather [spmem:s1], $0x80, s15, s17, $0xb8;
	[tilespmem:$0x1C480] =	vst v63  }
0x57: {  	_ =	swait.ge [sflag:s22], $0x4000  }
0x58: {  	[sflag:s22] =	ssyncset.done $0x0  }
0x59: {  	[sflag:s22] =	ssyncadd.s32 $0xFFFFC000  }
0x5a: {  	[hbm4b:s6+s3] =	stream.linear.scatter [tilespmem:s3], [sflag:$0x2], $0x4000, $0x38;
	[tilespmem:$0x1C480] =	vst v63  }
0x5b: {  	_ =	swait.ge [sflag:s16], $0x4000  }
0x5c: {  	[sflag:s16] =	ssyncset.done $0x0  }
0x5d: {  	[sflag:s16] =	ssyncadd.s32 $0xFFFFC000  }
0x5e: {  	[tilespmem:s3], [sflag:$0x1] =	stream.indirect.gather [spmem:s1], $0x80, s18, s17, $0xb8;
	[tilespmem:$0x1C480] =	vst v63  }
0x5f: {  	_ =	swait.ge [sflag:s22], $0x4000  }
0x60: {  	[sflag:s22] =	ssyncset.done $0x0  }
0x61: {  	[sflag:s22] =	ssyncadd.s32 $0xFFFFC000  }
0x62: {  	[hbm4b:s7+s3] =	stream.linear.scatter [tilespmem:s3], [sflag:$0x2], $0x4000, $0x38;
	[tilespmem:$0x1C480] =	vst v63  }
0x63: {  	_ =	swait.ge [sflag:s16], $0x4000  }
0x64: {  	[sflag:s16] =	ssyncset.done $0x0  }
0x65: {  	[sflag:s16] =	ssyncadd.s32 $0xFFFFC000  }
0x66: {  	[tilespmem:s3], [sflag:$0x1] =	stream.indirect.gather [spmem:s1], $0x80, s19, s17, $0xb8;
	[tilespmem:$0x1C480] =	vst v63  }
0x67: {  	_ =	swait.ge [sflag:s22], $0x4000  }
0x68: {  	[sflag:s22] =	ssyncset.done $0x0  }
0x69: {  	[sflag:s22] =	ssyncadd.s32 $0xFFFFC000  }
0x6a: {  	[hbm4b:s8+s3] =	stream.linear.scatter [tilespmem:s3], [sflag:$0x2], $0x4000, $0x38;
	[tilespmem:$0x1C480] =	vst v63  }
0x6b: {  	_ =	swait.ge [sflag:s16], $0x4000  }
0x6c: {  	[sflag:s16] =	ssyncset.done $0x0  }
0x6d: {  	[sflag:s16] =	ssyncadd.s32 $0xFFFFC000  }
0x6e: {  	[tilespmem:s3], [sflag:$0x1] =	stream.indirect.gather [spmem:s1], $0x80, s20, s17, $0xb8;
	[tilespmem:$0x1C480] =	vst v63  }
0x6f: {  	_ =	swait.ge [sflag:s22], $0x4000  }
0x70: {  	[sflag:s22] =	ssyncset.done $0x0  }
0x71: {  	[sflag:s22] =	ssyncadd.s32 $0xFFFFC000  }
0x72: {  	[hbm4b:s9+s3] =	stream.linear.scatter [tilespmem:s3], [sflag:$0x2], $0x4000, $0x38;
	[tilespmem:$0x1C480] =	vst v63  }
0x73: {  	_ =	swait.ge [sflag:s16], $0x4000  }
0x74: {  	[sflag:s16] =	ssyncset.done $0x0  }
0x75: {  	[sflag:s16] =	ssyncadd.s32 $0xFFFFC000  }
0x76: {  	[tilespmem:s3], [sflag:$0x1] =	stream.indirect.gather [spmem:s1], $0x80, s21, s17, $0xb8;
	[tilespmem:$0x1C480] =	vst v63  }
0x77: {  	s23 =	sadd.s32 $0x1, s23;
	_ =	swait.ge [sflag:s22], $0x4000  }
0x78: {  	p0 =	sne.s32 s23, s11;
	[sflag:s22] =	ssyncset.done $0x0  }
.Ltmp1:
0x79: {  	[sflag:s22] =	ssyncadd.s32 $0xFFFFC000;
	(pc) =	sbr.rel @p0 .LBB2_1-.Ltmp1, $4  }
0x7a: {  	[hbm4b:s10+s3] =	stream.linear.scatter [tilespmem:s3], [sflag:$0x2], $0x4000, $0x38;
	[tilespmem:$0x1C480] =	vst v63  }
0x7b: {  	_ =	swait.ge [sflag:s16], $0x4000  }
0x7c: {  	[sflag:s16] =	ssyncset.done $0x0  }
0x7d: {  	[sflag:s16] =	ssyncadd.s32 $0xFFFFC000  }
0x7e: {  	_ =	sfence.sel $0x180000  }
0x7f: {  	[bflag:$0x0] =	sbarrier.arrive $0xFFFF  }
0x80: {  	_ =	strace $0x9000004A  }
0x81: {  	s0 =	stileid.u32;
	[bflag:$0x2] =	sbarrier.arrive $0xFFFF  }
0x82: {  	p0 =	sne.s32 s0, $0x0;
	s0 =	rddreg [dreg:$0x3]  }
0x83: {  	s0 =	sadd.s32 @!p0 $0x100000, s0  }
0x84: {  	[sflag:s0] =	ssyncadd.tile.s32 @!p0 $0x1;
	_ =	shalt  }
.Lfunc_end2:
_tile_overlayer_lowered:
.L_overlay_start_2:
0x85: {  	(tag) =	ssettag $0x2  }
0x86: {  	s0 =	rddreg [dreg:$0x0];
	s2 =	stileid.u32  }
0x87: {  	s1 =	rddreg [dreg:$0x1];
	p0 =	sne.s32 s2, $0x0  }
0x88: {  	s3 =	rddreg [dreg:$0x2];
	[bflag:$0x3] =	sbarrier.arrive $0xFFFF;
	s2 =	simm.s32 @!p0 $0x1C02  }
0x89: {  	[timem:s3], [sflag:s2] =	dma.local @!p0 [hbm:s0], s1  }
0x8a: {  	s0 =	simm.s32 @!p0 $0x2  }
0x8b: {  	_ =	swait.ge @!p0 [sflag:s0], s1  }
0x8c: {  	s1 =	ssub.s32 @!p0 $0x0, s1;
	[sflag:s0] =	ssyncset.done @!p0 $0x0  }
0x8d: {  	[sflag:s0] =	ssyncadd.s32 @!p0 s1  }
0x8e: {  	[bflag:$0x3] =	sbarrier.arrive $0xFFFF  }
0x8f: {  	_ =	shalt  }

</sc_bundles>
